<compile_context>
chip_gen: v7x
topology: tpu7x:2x2x1
jax: 0.10.2.dev20260603
libtpu: 0.0.44.dev20260713+nightly
codegen_flags: <defaults>
</compile_context>

<pallas_src>
import functools

import jax
import jax.numpy as jnp
from jax import lax
from jax.experimental import pallas as pl
from jax.experimental.pallas import tpu as pltpu
from jax.experimental.pallas import tpu_sc as plsc

N_NODES = 10000
D = 128
DH = D // 2
N_EDGES = 320000

NC = 2
NS = 16
EPT = N_EDGES // NS
CHUNK = 400
NG = EPT // CHUNK
HG = NG // 2
ROWS_PER_TILE = 624
TAIL_ROWS = N_NODES - NS * ROWS_PER_TILE
TAIL_OFF = NS * ROWS_PER_TILE

_mesh = plsc.VectorSubcoreMesh(core_axis_name="c", subcore_axis_name="s",
                               num_cores=NC, num_subcores=NS)


@functools.partial(
    pl.kernel,
    out_type=jax.ShapeDtypeStruct((NC, N_NODES, DH), jnp.float32),
    mesh=_mesh,
    scratch_types=[
        pltpu.VMEM((HG, CHUNK), jnp.int32),
        pltpu.VMEM((HG, CHUNK), jnp.int32),
        pltpu.VMEM((CHUNK, DH), jnp.float32),
        pltpu.VMEM((CHUNK, DH), jnp.float32),
        pltpu.VMEM_SHARED((N_NODES, DH), jnp.float32),
        pltpu.SemaphoreType.DMA,
        pltpu.SemaphoreType.DMA,
    ],
    compiler_params=pltpu.CompilerParams(use_tc_tiling_on_sc=False),
)
def _sc_aggregate(x2_hbm, z_hbm, src_hbm, dst_hbm, out_hbm,
                  src_v, dst_v, rows_a, rows_b, agg_sh, sem_a, sem_b):
    c = lax.axis_index("c")
    s = lax.axis_index("s")
    x_half = x2_hbm.at[pl.ds(c, NC * N_NODES - 1)]

    r0 = s * ROWS_PER_TILE
    pltpu.sync_copy(z_hbm, agg_sh.at[pl.ds(r0, ROWS_PER_TILE)])

    @pl.when(s == NS - 1)
    def _():
        pltpu.sync_copy(z_hbm.at[pl.ds(0, TAIL_ROWS)],
                        agg_sh.at[pl.ds(TAIL_OFF, TAIL_ROWS)])

    plsc.subcore_barrier()

    for h in (0, 1):
        pltpu.sync_copy(src_hbm.at[s].at[pl.ds(h * HG, HG)], src_v)
        pltpu.sync_copy(dst_hbm.at[s].at[pl.ds(h * HG, HG)], dst_v)
        pltpu.async_copy(x_half.at[src_v.at[0]], rows_a, sem_a)

        def two_groups(t, carry):
            l0 = 2 * t
            l1 = l0 + 1
            pltpu.async_copy(x_half.at[src_v.at[l1]], rows_b, sem_b)
            pltpu.make_async_copy(x_half.at[src_v.at[0]], rows_a, sem_a).wait()
            pltpu.sync_copy(rows_a, agg_sh.at[dst_v.at[l0]], add=True)
            pltpu.async_copy(x_half.at[src_v.at[l0 + 2]], rows_a, sem_a)
            pltpu.make_async_copy(x_half.at[src_v.at[0]], rows_b, sem_b).wait()
            pltpu.sync_copy(rows_b, agg_sh.at[dst_v.at[l1]], add=True)
            return carry

        lax.fori_loop(0, HG // 2, two_groups, 0)
        pltpu.make_async_copy(x_half.at[src_v.at[0]], rows_a, sem_a).wait()
        pltpu.sync_copy(rows_a, agg_sh.at[dst_v.at[HG - 1]], add=True)

    plsc.subcore_barrier()

    out_half = out_hbm.at[c]
    pltpu.sync_copy(agg_sh.at[pl.ds(r0, ROWS_PER_TILE)],
                    out_half.at[pl.ds(r0, ROWS_PER_TILE)])

    @pl.when(s == NS - 1)
    def _():
        pltpu.sync_copy(agg_sh.at[pl.ds(TAIL_OFF, TAIL_ROWS)],
                        out_half.at[pl.ds(TAIL_OFF, TAIL_ROWS)])


BLK = 1000


def _mlp_body(p_ref, x_ref, w1_ref, b1_ref, w2_ref, b2_ref, o_ref):
    h = jnp.concatenate([p_ref[0], p_ref[1]], axis=-1) + x_ref[...]
    h = jnp.dot(h, w1_ref[...], preferred_element_type=jnp.float32) + b1_ref[...]
    h = jnp.maximum(h, 0.0)
    o_ref[...] = jnp.dot(h, w2_ref[...], preferred_element_type=jnp.float32) + b2_ref[...]


_mlp = pl.pallas_call(
    _mlp_body,
    grid=(N_NODES // BLK,),
    in_specs=[
        pl.BlockSpec((NC, BLK, DH), lambda i: (0, i, 0)),
        pl.BlockSpec((BLK, D), lambda i: (i, 0)),
        pl.BlockSpec((D, D), lambda i: (0, 0)),
        pl.BlockSpec((1, D), lambda i: (0, 0)),
        pl.BlockSpec((D, D), lambda i: (0, 0)),
        pl.BlockSpec((1, D), lambda i: (0, 0)),
    ],
    out_specs=pl.BlockSpec((BLK, D), lambda i: (i, 0)),
    out_shape=jax.ShapeDtypeStruct((N_NODES, D), jnp.float32),
)


def kernel(x, edge_index, W1, b1, W2, b2):
    x2 = x.reshape(NC * N_NODES, DH)
    srcd = (2 * edge_index[0].astype(jnp.int32)).reshape(NS, NG, CHUNK)
    dst = edge_index[1].astype(jnp.int32).reshape(NS, NG, CHUNK)
    z = jnp.zeros((ROWS_PER_TILE, DH), jnp.float32)
    p = _sc_aggregate(x2, z, srcd, dst)
    return _mlp(p, x, W1, b1.reshape(1, D), W2, b2.reshape(1, D))

# --- scband reference (transcript-rebuilt; emitter-appended) ---
"""Pipeline reference for scband-custom-ginconv-58437325029516 (READ-ONLY COPY).

The authoritative reference and input builder live on the scoring server;
editing this copy changes nothing except your own understanding.
"""

import jax, jax.numpy as jnp
import numpy as np

N_NODES = 10000
N_EDGES = 320000
D_IN = 128
D_OUT = 128
EPS = 0.0


def setup_inputs(seed: int = 0) -> dict:
    key = jax.random.key(seed)
    k1, k2, k3, k4, k5, k6 = jax.random.split(key, 6)
    x = jax.random.normal(k1, (N_NODES, D_IN), dtype=jnp.float32)
    edge_index = jax.random.randint(k2, (2, N_EDGES), 0, N_NODES, dtype=jnp.int64)
    # MLP params: Linear(in, out) -> ReLU -> Linear(out, out)
    s1 = 1.0 / np.sqrt(D_IN)
    s2 = 1.0 / np.sqrt(D_OUT)
    W1 = jax.random.uniform(k3, (D_IN, D_OUT), minval=-s1, maxval=s1, dtype=jnp.float32)
    b1 = jax.random.uniform(k4, (D_OUT,), minval=-s1, maxval=s1, dtype=jnp.float32)
    W2 = jax.random.uniform(k5, (D_OUT, D_OUT), minval=-s2, maxval=s2, dtype=jnp.float32)
    b2 = jax.random.uniform(k6, (D_OUT,), minval=-s2, maxval=s2, dtype=jnp.float32)
    return {"x": x, "edge_index": edge_index, "W1": W1, "b1": b1, "W2": W2, "b2": b2}


def reference(x, edge_index, W1, b1, W2, b2):
    # GINConv: out = MLP((1 + eps) * x + sum_{j in N(i)} x_j)
    src = edge_index[0]
    dst = edge_index[1]
    msgs = jnp.take(x, src, axis=0)  # gather source-node features per edge
    agg = jax.ops.segment_sum(msgs, dst, num_segments=N_NODES)  # scatter-add to dst
    h = (1.0 + EPS) * x + agg
    h = jnp.dot(h, W1) + b1
    h = jax.nn.relu(h)
    out = jnp.dot(h, W2) + b2
    return out

if __name__ == "__main__":
    import jax
    _d = setup_inputs()
    print(jax.jit(kernel)(*tuple(_d.values())))

</pallas_src>

<mosaic_0001>
#map = affine_map<(d0, d1) -> (0, 0)>
#map1 = affine_map<(d0, d1) -> (0, 0, 0)>
module attributes {stable_mosaic.version = 14 : i64} {
  func.func @_sc_aggregate(%arg0: i32, %arg1: i32, %arg2: memref<20000x64xf32, #tpu.memory_space<hbm>>, %arg3: memref<624x64xf32, #tpu.memory_space<hbm>>, %arg4: memref<16x50x400xi32, #tpu.memory_space<hbm>>, %arg5: memref<16x50x400xi32, #tpu.memory_space<hbm>>, %arg6: memref<2x10000x64xf32, #tpu.memory_space<hbm>>, %arg7: memref<25x400xi32, #tpu.memory_space<vmem>>, %arg8: memref<25x400xi32, #tpu.memory_space<vmem>>, %arg9: memref<400x64xf32, #tpu.memory_space<vmem>>, %arg10: memref<400x64xf32, #tpu.memory_space<vmem>>, %arg11: memref<10000x64xf32, #tpu.memory_space<vmem_shared>>, %arg12: memref<!tpu.dma_semaphore, #tpu.memory_space<semaphore_mem>>, %arg13: memref<!tpu.dma_semaphore, #tpu.memory_space<semaphore_mem>>) attributes {dimension_semantics = [#tpu.dimension_semantics<core_parallel>, #tpu.dimension_semantics<subcore_parallel>], iteration_bounds = array<i64: 2, 16>, scalar_prefetch = 0 : i64, scratch_operands = 7 : i64, tpu.core_type = #tpu.core_type<sc_vector_subcore>, window_params = [{transform_indices = #map}, {transform_indices = #map}, {transform_indices = #map1}, {transform_indices = #map1}, {transform_indices = #map1}]} {
    %mul3A = arith.constant 624 : i32
    %mul3A_0 = arith.muli %arg1, %mul3A : i32
    "tpu.region"() ({
      %run_scoped3A_55 = tpu.sem_alloc : memref<!tpu.dma_semaphore, #tpu.memory_space<semaphore_mem>>
      %dma_start3A_56 = arith.constant 0 : i32
      %dma_start3A_57 = tpu.memref_slice %arg11[%mul3A_0, %dma_start3A_56] : memref<10000x64xf32, #tpu.memory_space<vmem_shared>> -> memref<624x64xf32, #tpu.memory_space<vmem_shared>>
      tpu.enqueue_dma source(%arg3 : memref<624x64xf32, #tpu.memory_space<hbm>>) target(%dma_start3A_57 : memref<624x64xf32, #tpu.memory_space<vmem_shared>>) target_semaphore(%run_scoped3A_55 : memref<!tpu.dma_semaphore, #tpu.memory_space<semaphore_mem>>)
      %dma_wait3A_58 = arith.constant 0 : i32
      %dma_wait3A_59 = tpu.memref_slice %arg11[%mul3A_0, %dma_wait3A_58] : memref<10000x64xf32, #tpu.memory_space<vmem_shared>> -> memref<624x64xf32, #tpu.memory_space<vmem_shared>>
      tpu.wait_dma2 semaphore(%run_scoped3A_55 : memref<!tpu.dma_semaphore, #tpu.memory_space<semaphore_mem>>) src(%arg3 : memref<624x64xf32, #tpu.memory_space<hbm>>) dst(%dma_wait3A_59 : memref<624x64xf32, #tpu.memory_space<vmem_shared>>)
      tpu.yield
    }) : () -> ()
    %eq3A = arith.constant 15 : i32
    %eq3A_1 = arith.cmpi eq, %arg1, %eq3A : i32
    %convert_element_type3A = arith.extui %eq3A_1 : i1 to i32
    %cond3A = arith.constant 0 : i32
    %cond3A_2 = arith.cmpi ne, %convert_element_type3A, %cond3A : i32
    scf.if %cond3A_2 {
      "tpu.region"() ({
        %run_scoped3A_55 = tpu.sem_alloc : memref<!tpu.dma_semaphore, #tpu.memory_space<semaphore_mem>>
        %dma_start3A_56 = arith.constant 9984 : i32
        %dma_start3A_57 = arith.constant 0 : i32
        %dma_start3A_58 = tpu.memref_slice %arg11[%dma_start3A_56, %dma_start3A_57] : memref<10000x64xf32, #tpu.memory_space<vmem_shared>> -> memref<16x64xf32, #tpu.memory_space<vmem_shared>>
        %dma_start3A_59 = arith.constant 0 : i32
        %dma_start3A_60 = arith.constant 0 : i32
        %dma_start3A_61 = tpu.memref_slice %arg3[%dma_start3A_59, %dma_start3A_60] : memref<624x64xf32, #tpu.memory_space<hbm>> -> memref<16x64xf32, #tpu.memory_space<hbm>>
        tpu.enqueue_dma source(%dma_start3A_61 : memref<16x64xf32, #tpu.memory_space<hbm>>) target(%dma_start3A_58 : memref<16x64xf32, #tpu.memory_space<vmem_shared>>) target_semaphore(%run_scoped3A_55 : memref<!tpu.dma_semaphore, #tpu.memory_space<semaphore_mem>>)
        %dma_wait3A_62 = arith.constant 9984 : i32
        %dma_wait3A_63 = arith.constant 0 : i32
        %dma_wait3A_64 = tpu.memref_slice %arg11[%dma_wait3A_62, %dma_wait3A_63] : memref<10000x64xf32, #tpu.memory_space<vmem_shared>> -> memref<16x64xf32, #tpu.memory_space<vmem_shared>>
        %dma_wait3A_65 = arith.constant 0 : i32
        %dma_wait3A_66 = arith.constant 0 : i32
        %dma_wait3A_67 = tpu.memref_slice %arg3[%dma_wait3A_65, %dma_wait3A_66] : memref<624x64xf32, #tpu.memory_space<hbm>> -> memref<16x64xf32, #tpu.memory_space<hbm>>
        tpu.wait_dma2 semaphore(%run_scoped3A_55 : memref<!tpu.dma_semaphore, #tpu.memory_space<semaphore_mem>>) src(%dma_wait3A_67 : memref<16x64xf32, #tpu.memory_space<hbm>>) dst(%dma_wait3A_64 : memref<16x64xf32, #tpu.memory_space<vmem_shared>>)
        tpu.yield
      }) : () -> ()
    } else {
    }
    %barrier3A = arith.constant 0 : index
    tpu.barrier barrier_id(%barrier3A)
    "tpu.region"() ({
      %run_scoped3A_55 = tpu.sem_alloc : memref<!tpu.dma_semaphore, #tpu.memory_space<semaphore_mem>>
      %dma_start3A_56 = arith.constant 0 : i32
      %dma_start3A_57 = arith.constant 0 : i32
      %dma_start3A_58 = tpu.memref_slice %arg4[%arg1, %dma_start3A_56, %dma_start3A_57] : memref<16x50x400xi32, #tpu.memory_space<hbm>> -> memref<1x50x400xi32, #tpu.memory_space<hbm>>
      %dma_start3A_59 = tpu.memref_squeeze %dma_start3A_58 : memref<1x50x400xi32, #tpu.memory_space<hbm>> -> memref<50x400xi32, #tpu.memory_space<hbm>>
      %dma_start3A_60 = arith.constant 0 : i32
      %dma_start3A_61 = arith.constant 0 : i32
      %dma_start3A_62 = tpu.memref_slice %dma_start3A_59[%dma_start3A_60, %dma_start3A_61] : memref<50x400xi32, #tpu.memory_space<hbm>> -> memref<25x400xi32, #tpu.memory_space<hbm>>
      %dma_start3A_63 = arith.constant 0 : i32
      %dma_start3A_64 = arith.constant 0 : i32
      %dma_start3A_65 = tpu.memref_slice %arg4[%arg1, %dma_start3A_63, %dma_start3A_64] : memref<16x50x400xi32, #tpu.memory_space<hbm>> -> memref<1x50x400xi32, #tpu.memory_space<hbm>>
      %dma_start3A_66 = tpu.memref_squeeze %dma_start3A_65 : memref<1x50x400xi32, #tpu.memory_space<hbm>> -> memref<50x400xi32, #tpu.memory_space<hbm>>
      %dma_start3A_67 = arith.constant 0 : i32
      %dma_start3A_68 = arith.constant 0 : i32
      %dma_start3A_69 = tpu.memref_slice %dma_start3A_66[%dma_start3A_67, %dma_start3A_68] : memref<50x400xi32, #tpu.memory_space<hbm>> -> memref<25x400xi32, #tpu.memory_space<hbm>>
      tpu.enqueue_dma source(%dma_start3A_69 : memref<25x400xi32, #tpu.memory_space<hbm>>) target(%arg7 : memref<25x400xi32, #tpu.memory_space<vmem>>) target_semaphore(%run_scoped3A_55 : memref<!tpu.dma_semaphore, #tpu.memory_space<semaphore_mem>>)
      %dma_wait3A_70 = arith.constant 0 : i32
      %dma_wait3A_71 = arith.constant 0 : i32
      %dma_wait3A_72 = tpu.memref_slice %arg4[%arg1, %dma_wait3A_70, %dma_wait3A_71] : memref<16x50x400xi32, #tpu.memory_space<hbm>> -> memref<1x50x400xi32, #tpu.memory_space<hbm>>
      %dma_wait3A_73 = tpu.memref_squeeze %dma_wait3A_72 : memref<1x50x400xi32, #tpu.memory_space<hbm>> -> memref<50x400xi32, #tpu.memory_space<hbm>>
      %dma_wait3A_74 = arith.constant 0 : i32
      %dma_wait3A_75 = arith.constant 0 : i32
      %dma_wait3A_76 = tpu.memref_slice %dma_wait3A_73[%dma_wait3A_74, %dma_wait3A_75] : memref<50x400xi32, #tpu.memory_space<hbm>> -> memref<25x400xi32, #tpu.memory_space<hbm>>
      %dma_wait3A_77 = arith.constant 0 : i32
      %dma_wait3A_78 = arith.constant 0 : i32
      %dma_wait3A_79 = tpu.memref_slice %arg4[%arg1, %dma_wait3A_77, %dma_wait3A_78] : memref<16x50x400xi32, #tpu.memory_space<hbm>> -> memref<1x50x400xi32, #tpu.memory_space<hbm>>
      %dma_wait3A_80 = tpu.memref_squeeze %dma_wait3A_79 : memref<1x50x400xi32, #tpu.memory_space<hbm>> -> memref<50x400xi32, #tpu.memory_space<hbm>>
      %dma_wait3A_81 = arith.constant 0 : i32
      %dma_wait3A_82 = arith.constant 0 : i32
      %dma_wait3A_83 = tpu.memref_slice %dma_wait3A_80[%dma_wait3A_81, %dma_wait3A_82] : memref<50x400xi32, #tpu.memory_space<hbm>> -> memref<25x400xi32, #tpu.memory_space<hbm>>
      tpu.wait_dma2 semaphore(%run_scoped3A_55 : memref<!tpu.dma_semaphore, #tpu.memory_space<semaphore_mem>>) src(%dma_wait3A_83 : memref<25x400xi32, #tpu.memory_space<hbm>>) dst(%arg7 : memref<25x400xi32, #tpu.memory_space<vmem>>)
      tpu.yield
    }) : () -> ()
    "tpu.region"() ({
      %run_scoped3A_55 = tpu.sem_alloc : memref<!tpu.dma_semaphore, #tpu.memory_space<semaphore_mem>>
      %dma_start3A_56 = arith.constant 0 : i32
      %dma_start3A_57 = arith.constant 0 : i32
      %dma_start3A_58 = tpu.memref_slice %arg5[%arg1, %dma_start3A_56, %dma_start3A_57] : memref<16x50x400xi32, #tpu.memory_space<hbm>> -> memref<1x50x400xi32, #tpu.memory_space<hbm>>
      %dma_start3A_59 = tpu.memref_squeeze %dma_start3A_58 : memref<1x50x400xi32, #tpu.memory_space<hbm>> -> memref<50x400xi32, #tpu.memory_space<hbm>>
      %dma_start3A_60 = arith.constant 0 : i32
      %dma_start3A_61 = arith.constant 0 : i32
      %dma_start3A_62 = tpu.memref_slice %dma_start3A_59[%dma_start3A_60, %dma_start3A_61] : memref<50x400xi32, #tpu.memory_space<hbm>> -> memref<25x400xi32, #tpu.memory_space<hbm>>
      %dma_start3A_63 = arith.constant 0 : i32
      %dma_start3A_64 = arith.constant 0 : i32
      %dma_start3A_65 = tpu.memref_slice %arg5[%arg1, %dma_start3A_63, %dma_start3A_64] : memref<16x50x400xi32, #tpu.memory_space<hbm>> -> memref<1x50x400xi32, #tpu.memory_space<hbm>>
      %dma_start3A_66 = tpu.memref_squeeze %dma_start3A_65 : memref<1x50x400xi32, #tpu.memory_space<hbm>> -> memref<50x400xi32, #tpu.memory_space<hbm>>
      %dma_start3A_67 = arith.constant 0 : i32
      %dma_start3A_68 = arith.constant 0 : i32
      %dma_start3A_69 = tpu.memref_slice %dma_start3A_66[%dma_start3A_67, %dma_start3A_68] : memref<50x400xi32, #tpu.memory_space<hbm>> -> memref<25x400xi32, #tpu.memory_space<hbm>>
      tpu.enqueue_dma source(%dma_start3A_69 : memref<25x400xi32, #tpu.memory_space<hbm>>) target(%arg8 : memref<25x400xi32, #tpu.memory_space<vmem>>) target_semaphore(%run_scoped3A_55 : memref<!tpu.dma_semaphore, #tpu.memory_space<semaphore_mem>>)
      %dma_wait3A_70 = arith.constant 0 : i32
      %dma_wait3A_71 = arith.constant 0 : i32
      %dma_wait3A_72 = tpu.memref_slice %arg5[%arg1, %dma_wait3A_70, %dma_wait3A_71] : memref<16x50x400xi32, #tpu.memory_space<hbm>> -> memref<1x50x400xi32, #tpu.memory_space<hbm>>
      %dma_wait3A_73 = tpu.memref_squeeze %dma_wait3A_72 : memref<1x50x400xi32, #tpu.memory_space<hbm>> -> memref<50x400xi32, #tpu.memory_space<hbm>>
      %dma_wait3A_74 = arith.constant 0 : i32
      %dma_wait3A_75 = arith.constant 0 : i32
      %dma_wait3A_76 = tpu.memref_slice %dma_wait3A_73[%dma_wait3A_74, %dma_wait3A_75] : memref<50x400xi32, #tpu.memory_space<hbm>> -> memref<25x400xi32, #tpu.memory_space<hbm>>
      %dma_wait3A_77 = arith.constant 0 : i32
      %dma_wait3A_78 = arith.constant 0 : i32
      %dma_wait3A_79 = tpu.memref_slice %arg5[%arg1, %dma_wait3A_77, %dma_wait3A_78] : memref<16x50x400xi32, #tpu.memory_space<hbm>> -> memref<1x50x400xi32, #tpu.memory_space<hbm>>
      %dma_wait3A_80 = tpu.memref_squeeze %dma_wait3A_79 : memref<1x50x400xi32, #tpu.memory_space<hbm>> -> memref<50x400xi32, #tpu.memory_space<hbm>>
      %dma_wait3A_81 = arith.constant 0 : i32
      %dma_wait3A_82 = arith.constant 0 : i32
      %dma_wait3A_83 = tpu.memref_slice %dma_wait3A_80[%dma_wait3A_81, %dma_wait3A_82] : memref<50x400xi32, #tpu.memory_space<hbm>> -> memref<25x400xi32, #tpu.memory_space<hbm>>
      tpu.wait_dma2 semaphore(%run_scoped3A_55 : memref<!tpu.dma_semaphore, #tpu.memory_space<semaphore_mem>>) src(%dma_wait3A_83 : memref<25x400xi32, #tpu.memory_space<hbm>>) dst(%arg8 : memref<25x400xi32, #tpu.memory_space<vmem>>)
      tpu.yield
    }) : () -> ()
    %dma_start3A = arith.constant 0 : i32
    %dma_start3A_3 = arith.constant 0 : i32
    %dma_start3A_4 = tpu.memref_slice %arg7[%dma_start3A, %dma_start3A_3] : memref<25x400xi32, #tpu.memory_space<vmem>> -> memref<1x400xi32, #tpu.memory_space<vmem>>
    %dma_start3A_5 = tpu.memref_squeeze %dma_start3A_4 : memref<1x400xi32, #tpu.memory_space<vmem>> -> memref<400xi32, #tpu.memory_space<vmem>>
    %dma_start3A_6 = arith.constant 0 : i32
    %dma_start3A_7 = tpu.memref_slice %arg2[%arg0, %dma_start3A_6] : memref<20000x64xf32, #tpu.memory_space<hbm>> -> memref<19999x64xf32, #tpu.memory_space<hbm>>
    %dma_start3A_8 = arith.constant 0 : i32
    %dma_start3A_9 = arith.constant 0 : i32
    %dma_start3A_10 = tpu.memref_slice %dma_start3A_7[%dma_start3A_8, %dma_start3A_9] : memref<19999x64xf32, #tpu.memory_space<hbm>> -> memref<19999x64xf32, #tpu.memory_space<hbm>>
    tpu.enqueue_indirect_dma source(%dma_start3A_10 : memref<19999x64xf32, #tpu.memory_space<hbm>>) target(%arg9 : memref<400x64xf32, #tpu.memory_space<vmem>>) offsets(%dma_start3A_5 : memref<400xi32, #tpu.memory_space<vmem>>) semaphore(%arg12 : memref<!tpu.dma_semaphore, #tpu.memory_space<semaphore_mem>>)
    %scan3A = arith.constant 0 : i32
    %scan3A_11 = arith.constant 0 : i32
    %scan3A_12 = arith.constant 12 : i32
    %scan3A_13 = arith.addi %scan3A_11, %scan3A_12 : i32
    %scan3A_14 = arith.constant 1 : i32
    scf.for %scan3A_55 = %scan3A_11 to %scan3A_13 step %scan3A_14  : i32 {
      %mul3A_56 = arith.constant 2 : i32
      %mul3A_57 = arith.muli %mul3A_56, %scan3A_55 : i32
      %add3A = arith.constant 1 : i32
      %add3A_58 = arith.addi %mul3A_57, %add3A : i32
      %dma_start3A_59 = arith.constant 0 : i32
      %dma_start3A_60 = tpu.memref_slice %arg7[%add3A_58, %dma_start3A_59] : memref<25x400xi32, #tpu.memory_space<vmem>> -> memref<1x400xi32, #tpu.memory_space<vmem>>
      %dma_start3A_61 = tpu.memref_squeeze %dma_start3A_60 : memref<1x400xi32, #tpu.memory_space<vmem>> -> memref<400xi32, #tpu.memory_space<vmem>>
      %dma_start3A_62 = arith.constant 0 : i32
      %dma_start3A_63 = tpu.memref_slice %arg2[%arg0, %dma_start3A_62] : memref<20000x64xf32, #tpu.memory_space<hbm>> -> memref<19999x64xf32, #tpu.memory_space<hbm>>
      %dma_start3A_64 = arith.constant 0 : i32
      %dma_start3A_65 = arith.constant 0 : i32
      %dma_start3A_66 = tpu.memref_slice %dma_start3A_63[%dma_start3A_64, %dma_start3A_65] : memref<19999x64xf32, #tpu.memory_space<hbm>> -> memref<19999x64xf32, #tpu.memory_space<hbm>>
      tpu.enqueue_indirect_dma source(%dma_start3A_66 : memref<19999x64xf32, #tpu.memory_space<hbm>>) target(%arg10 : memref<400x64xf32, #tpu.memory_space<vmem>>) offsets(%dma_start3A_61 : memref<400xi32, #tpu.memory_space<vmem>>) semaphore(%arg13 : memref<!tpu.dma_semaphore, #tpu.memory_space<semaphore_mem>>)
      %dma_wait3A_67 = arith.constant 0 : i32
      %dma_wait3A_68 = arith.constant 0 : i32
      %dma_wait3A_69 = tpu.memref_slice %arg7[%dma_wait3A_67, %dma_wait3A_68] : memref<25x400xi32, #tpu.memory_space<vmem>> -> memref<1x400xi32, #tpu.memory_space<vmem>>
      %dma_wait3A_70 = tpu.memref_squeeze %dma_wait3A_69 : memref<1x400xi32, #tpu.memory_space<vmem>> -> memref<400xi32, #tpu.memory_space<vmem>>
      %dma_wait3A_71 = arith.constant 0 : i32
      %dma_wait3A_72 = tpu.memref_slice %arg2[%arg0, %dma_wait3A_71] : memref<20000x64xf32, #tpu.memory_space<hbm>> -> memref<19999x64xf32, #tpu.memory_space<hbm>>
      %dma_wait3A_73 = arith.constant 0 : i32
      %dma_wait3A_74 = arith.constant 0 : i32
      %dma_wait3A_75 = tpu.memref_slice %dma_wait3A_72[%dma_wait3A_73, %dma_wait3A_74] : memref<19999x64xf32, #tpu.memory_space<hbm>> -> memref<19999x64xf32, #tpu.memory_space<hbm>>
      tpu.wait_indirect_dma semaphore(%arg12 : memref<!tpu.dma_semaphore, #tpu.memory_space<semaphore_mem>>) src(%dma_wait3A_75 : memref<19999x64xf32, #tpu.memory_space<hbm>>) dst(%arg9 : memref<400x64xf32, #tpu.memory_space<vmem>>)
      "tpu.region"() ({
        %run_scoped3A_95 = tpu.sem_alloc : memref<!tpu.dma_semaphore, #tpu.memory_space<semaphore_mem>>
        %dma_start3A_96 = arith.constant 0 : i32
        %dma_start3A_97 = tpu.memref_slice %arg8[%mul3A_57, %dma_start3A_96] : memref<25x400xi32, #tpu.memory_space<vmem>> -> memref<1x400xi32, #tpu.memory_space<vmem>>
        %dma_start3A_98 = tpu.memref_squeeze %dma_start3A_97 : memref<1x400xi32, #tpu.memory_space<vmem>> -> memref<400xi32, #tpu.memory_space<vmem>>
        %dma_start3A_99 = arith.constant 0 : i32
        %dma_start3A_100 = arith.constant 0 : i32
        %dma_start3A_101 = tpu.memref_slice %arg11[%dma_start3A_99, %dma_start3A_100] : memref<10000x64xf32, #tpu.memory_space<vmem_shared>> -> memref<10000x64xf32, #tpu.memory_space<vmem_shared>>
        tpu.enqueue_indirect_dma source(%arg9 : memref<400x64xf32, #tpu.memory_space<vmem>>) target(%dma_start3A_101 : memref<10000x64xf32, #tpu.memory_space<vmem_shared>>) offsets(%dma_start3A_98 : memref<400xi32, #tpu.memory_space<vmem>>) semaphore(%run_scoped3A_95 : memref<!tpu.dma_semaphore, #tpu.memory_space<semaphore_mem>>) {add = true}
        %dma_wait3A_102 = arith.constant 0 : i32
        %dma_wait3A_103 = tpu.memref_slice %arg8[%mul3A_57, %dma_wait3A_102] : memref<25x400xi32, #tpu.memory_space<vmem>> -> memref<1x400xi32, #tpu.memory_space<vmem>>
        %dma_wait3A_104 = tpu.memref_squeeze %dma_wait3A_103 : memref<1x400xi32, #tpu.memory_space<vmem>> -> memref<400xi32, #tpu.memory_space<vmem>>
        %dma_wait3A_105 = arith.constant 0 : i32
        %dma_wait3A_106 = arith.constant 0 : i32
        %dma_wait3A_107 = tpu.memref_slice %arg11[%dma_wait3A_105, %dma_wait3A_106] : memref<10000x64xf32, #tpu.memory_space<vmem_shared>> -> memref<10000x64xf32, #tpu.memory_space<vmem_shared>>
        tpu.wait_indirect_dma semaphore(%run_scoped3A_95 : memref<!tpu.dma_semaphore, #tpu.memory_space<semaphore_mem>>) src(%arg9 : memref<400x64xf32, #tpu.memory_space<vmem>>) dst(%dma_wait3A_107 : memref<10000x64xf32, #tpu.memory_space<vmem_shared>>)
        tpu.yield
      }) : () -> ()
      %add3A_76 = arith.constant 2 : i32
      %add3A_77 = arith.addi %mul3A_57, %add3A_76 : i32
      %dma_start3A_78 = arith.constant 0 : i32
      %dma_start3A_79 = tpu.memref_slice %arg7[%add3A_77, %dma_start3A_78] : memref<25x400xi32, #tpu.memory_space<vmem>> -> memref<1x400xi32, #tpu.memory_space<vmem>>
      %dma_start3A_80 = tpu.memref_squeeze %dma_start3A_79 : memref<1x400xi32, #tpu.memory_space<vmem>> -> memref<400xi32, #tpu.memory_space<vmem>>
      %dma_start3A_81 = arith.constant 0 : i32
      %dma_start3A_82 = tpu.memref_slice %arg2[%arg0, %dma_start3A_81] : memref<20000x64xf32, #tpu.memory_space<hbm>> -> memref<19999x64xf32, #tpu.memory_space<hbm>>
      %dma_start3A_83 = arith.constant 0 : i32
      %dma_start3A_84 = arith.constant 0 : i32
      %dma_start3A_85 = tpu.memref_slice %dma_start3A_82[%dma_start3A_83, %dma_start3A_84] : memref<19999x64xf32, #tpu.memory_space<hbm>> -> memref<19999x64xf32, #tpu.memory_space<hbm>>
      tpu.enqueue_indirect_dma source(%dma_start3A_85 : memref<19999x64xf32, #tpu.memory_space<hbm>>) target(%arg9 : memref<400x64xf32, #tpu.memory_space<vmem>>) offsets(%dma_start3A_80 : memref<400xi32, #tpu.memory_space<vmem>>) semaphore(%arg12 : memref<!tpu.dma_semaphore, #tpu.memory_space<semaphore_mem>>)
      %dma_wait3A_86 = arith.constant 0 : i32
      %dma_wait3A_87 = arith.constant 0 : i32
      %dma_wait3A_88 = tpu.memref_slice %arg7[%dma_wait3A_86, %dma_wait3A_87] : memref<25x400xi32, #tpu.memory_space<vmem>> -> memref<1x400xi32, #tpu.memory_space<vmem>>
      %dma_wait3A_89 = tpu.memref_squeeze %dma_wait3A_88 : memref<1x400xi32, #tpu.memory_space<vmem>> -> memref<400xi32, #tpu.memory_space<vmem>>
      %dma_wait3A_90 = arith.constant 0 : i32
      %dma_wait3A_91 = tpu.memref_slice %arg2[%arg0, %dma_wait3A_90] : memref<20000x64xf32, #tpu.memory_space<hbm>> -> memref<19999x64xf32, #tpu.memory_space<hbm>>
      %dma_wait3A_92 = arith.constant 0 : i32
      %dma_wait3A_93 = arith.constant 0 : i32
      %dma_wait3A_94 = tpu.memref_slice %dma_wait3A_91[%dma_wait3A_92, %dma_wait3A_93] : memref<19999x64xf32, #tpu.memory_space<hbm>> -> memref<19999x64xf32, #tpu.memory_space<hbm>>
      tpu.wait_indirect_dma semaphore(%arg13 : memref<!tpu.dma_semaphore, #tpu.memory_space<semaphore_mem>>) src(%dma_wait3A_94 : memref<19999x64xf32, #tpu.memory_space<hbm>>) dst(%arg10 : memref<400x64xf32, #tpu.memory_space<vmem>>)
      "tpu.region"() ({
        %run_scoped3A_95 = tpu.sem_alloc : memref<!tpu.dma_semaphore, #tpu.memory_space<semaphore_mem>>
        %dma_start3A_96 = arith.constant 0 : i32
        %dma_start3A_97 = tpu.memref_slice %arg8[%add3A_58, %dma_start3A_96] : memref<25x400xi32, #tpu.memory_space<vmem>> -> memref<1x400xi32, #tpu.memory_space<vmem>>
        %dma_start3A_98 = tpu.memref_squeeze %dma_start3A_97 : memref<1x400xi32, #tpu.memory_space<vmem>> -> memref<400xi32, #tpu.memory_space<vmem>>
        %dma_start3A_99 = arith.constant 0 : i32
        %dma_start3A_100 = arith.constant 0 : i32
        %dma_start3A_101 = tpu.memref_slice %arg11[%dma_start3A_99, %dma_start3A_100] : memref<10000x64xf32, #tpu.memory_space<vmem_shared>> -> memref<10000x64xf32, #tpu.memory_space<vmem_shared>>
        tpu.enqueue_indirect_dma source(%arg10 : memref<400x64xf32, #tpu.memory_space<vmem>>) target(%dma_start3A_101 : memref<10000x64xf32, #tpu.memory_space<vmem_shared>>) offsets(%dma_start3A_98 : memref<400xi32, #tpu.memory_space<vmem>>) semaphore(%run_scoped3A_95 : memref<!tpu.dma_semaphore, #tpu.memory_space<semaphore_mem>>) {add = true}
        %dma_wait3A_102 = arith.constant 0 : i32
        %dma_wait3A_103 = tpu.memref_slice %arg8[%add3A_58, %dma_wait3A_102] : memref<25x400xi32, #tpu.memory_space<vmem>> -> memref<1x400xi32, #tpu.memory_space<vmem>>
        %dma_wait3A_104 = tpu.memref_squeeze %dma_wait3A_103 : memref<1x400xi32, #tpu.memory_space<vmem>> -> memref<400xi32, #tpu.memory_space<vmem>>
        %dma_wait3A_105 = arith.constant 0 : i32
        %dma_wait3A_106 = arith.constant 0 : i32
        %dma_wait3A_107 = tpu.memref_slice %arg11[%dma_wait3A_105, %dma_wait3A_106] : memref<10000x64xf32, #tpu.memory_space<vmem_shared>> -> memref<10000x64xf32, #tpu.memory_space<vmem_shared>>
        tpu.wait_indirect_dma semaphore(%run_scoped3A_95 : memref<!tpu.dma_semaphore, #tpu.memory_space<semaphore_mem>>) src(%arg10 : memref<400x64xf32, #tpu.memory_space<vmem>>) dst(%dma_wait3A_107 : memref<10000x64xf32, #tpu.memory_space<vmem_shared>>)
        tpu.yield
      }) : () -> ()
    }
    %scan3A_15 = arith.constant 12 : i32
    %dma_wait3A = arith.constant 0 : i32
    %dma_wait3A_16 = arith.constant 0 : i32
    %dma_wait3A_17 = tpu.memref_slice %arg7[%dma_wait3A, %dma_wait3A_16] : memref<25x400xi32, #tpu.memory_space<vmem>> -> memref<1x400xi32, #tpu.memory_space<vmem>>
    %dma_wait3A_18 = tpu.memref_squeeze %dma_wait3A_17 : memref<1x400xi32, #tpu.memory_space<vmem>> -> memref<400xi32, #tpu.memory_space<vmem>>
    %dma_wait3A_19 = arith.constant 0 : i32
    %dma_wait3A_20 = tpu.memref_slice %arg2[%arg0, %dma_wait3A_19] : memref<20000x64xf32, #tpu.memory_space<hbm>> -> memref<19999x64xf32, #tpu.memory_space<hbm>>
    %dma_wait3A_21 = arith.constant 0 : i32
    %dma_wait3A_22 = arith.constant 0 : i32
    %dma_wait3A_23 = tpu.memref_slice %dma_wait3A_20[%dma_wait3A_21, %dma_wait3A_22] : memref<19999x64xf32, #tpu.memory_space<hbm>> -> memref<19999x64xf32, #tpu.memory_space<hbm>>
    tpu.wait_indirect_dma semaphore(%arg12 : memref<!tpu.dma_semaphore, #tpu.memory_space<semaphore_mem>>) src(%dma_wait3A_23 : memref<19999x64xf32, #tpu.memory_space<hbm>>) dst(%arg9 : memref<400x64xf32, #tpu.memory_space<vmem>>)
    %run_scoped3A = arith.constant 24 : i32
    "tpu.region"() ({
      %run_scoped3A_55 = tpu.sem_alloc : memref<!tpu.dma_semaphore, #tpu.memory_space<semaphore_mem>>
      %dma_start3A_56 = arith.constant 0 : i32
      %dma_start3A_57 = tpu.memref_slice %arg8[%run_scoped3A, %dma_start3A_56] : memref<25x400xi32, #tpu.memory_space<vmem>> -> memref<1x400xi32, #tpu.memory_space<vmem>>
      %dma_start3A_58 = tpu.memref_squeeze %dma_start3A_57 : memref<1x400xi32, #tpu.memory_space<vmem>> -> memref<400xi32, #tpu.memory_space<vmem>>
      %dma_start3A_59 = arith.constant 0 : i32
      %dma_start3A_60 = arith.constant 0 : i32
      %dma_start3A_61 = tpu.memref_slice %arg11[%dma_start3A_59, %dma_start3A_60] : memref<10000x64xf32, #tpu.memory_space<vmem_shared>> -> memref<10000x64xf32, #tpu.memory_space<vmem_shared>>
      tpu.enqueue_indirect_dma source(%arg9 : memref<400x64xf32, #tpu.memory_space<vmem>>) target(%dma_start3A_61 : memref<10000x64xf32, #tpu.memory_space<vmem_shared>>) offsets(%dma_start3A_58 : memref<400xi32, #tpu.memory_space<vmem>>) semaphore(%run_scoped3A_55 : memref<!tpu.dma_semaphore, #tpu.memory_space<semaphore_mem>>) {add = true}
      %dma_wait3A_62 = arith.constant 0 : i32
      %dma_wait3A_63 = tpu.memref_slice %arg8[%run_scoped3A, %dma_wait3A_62] : memref<25x400xi32, #tpu.memory_space<vmem>> -> memref<1x400xi32, #tpu.memory_space<vmem>>
      %dma_wait3A_64 = tpu.memref_squeeze %dma_wait3A_63 : memref<1x400xi32, #tpu.memory_space<vmem>> -> memref<400xi32, #tpu.memory_space<vmem>>
      %dma_wait3A_65 = arith.constant 0 : i32
      %dma_wait3A_66 = arith.constant 0 : i32
      %dma_wait3A_67 = tpu.memref_slice %arg11[%dma_wait3A_65, %dma_wait3A_66] : memref<10000x64xf32, #tpu.memory_space<vmem_shared>> -> memref<10000x64xf32, #tpu.memory_space<vmem_shared>>
      tpu.wait_indirect_dma semaphore(%run_scoped3A_55 : memref<!tpu.dma_semaphore, #tpu.memory_space<semaphore_mem>>) src(%arg9 : memref<400x64xf32, #tpu.memory_space<vmem>>) dst(%dma_wait3A_67 : memref<10000x64xf32, #tpu.memory_space<vmem_shared>>)
      tpu.yield
    }) : () -> ()
    "tpu.region"() ({
      %run_scoped3A_55 = tpu.sem_alloc : memref<!tpu.dma_semaphore, #tpu.memory_space<semaphore_mem>>
      %dma_start3A_56 = arith.constant 0 : i32
      %dma_start3A_57 = arith.constant 0 : i32
      %dma_start3A_58 = tpu.memref_slice %arg4[%arg1, %dma_start3A_56, %dma_start3A_57] : memref<16x50x400xi32, #tpu.memory_space<hbm>> -> memref<1x50x400xi32, #tpu.memory_space<hbm>>
      %dma_start3A_59 = tpu.memref_squeeze %dma_start3A_58 : memref<1x50x400xi32, #tpu.memory_space<hbm>> -> memref<50x400xi32, #tpu.memory_space<hbm>>
      %dma_start3A_60 = arith.constant 25 : i32
      %dma_start3A_61 = arith.constant 0 : i32
      %dma_start3A_62 = tpu.memref_slice %dma_start3A_59[%dma_start3A_60, %dma_start3A_61] : memref<50x400xi32, #tpu.memory_space<hbm>> -> memref<25x400xi32, #tpu.memory_space<hbm>>
      %dma_start3A_63 = arith.constant 0 : i32
      %dma_start3A_64 = arith.constant 0 : i32
      %dma_start3A_65 = tpu.memref_slice %arg4[%arg1, %dma_start3A_63, %dma_start3A_64] : memref<16x50x400xi32, #tpu.memory_space<hbm>> -> memref<1x50x400xi32, #tpu.memory_space<hbm>>
      %dma_start3A_66 = tpu.memref_squeeze %dma_start3A_65 : memref<1x50x400xi32, #tpu.memory_space<hbm>> -> memref<50x400xi32, #tpu.memory_space<hbm>>
      %dma_start3A_67 = arith.constant 25 : i32
      %dma_start3A_68 = arith.constant 0 : i32
      %dma_start3A_69 = tpu.memref_slice %dma_start3A_66[%dma_start3A_67, %dma_start3A_68] : memref<50x400xi32, #tpu.memory_space<hbm>> -> memref<25x400xi32, #tpu.memory_space<hbm>>
      tpu.enqueue_dma source(%dma_start3A_69 : memref<25x400xi32, #tpu.memory_space<hbm>>) target(%arg7 : memref<25x400xi32, #tpu.memory_space<vmem>>) target_semaphore(%run_scoped3A_55 : memref<!tpu.dma_semaphore, #tpu.memory_space<semaphore_mem>>)
      %dma_wait3A_70 = arith.constant 0 : i32
      %dma_wait3A_71 = arith.constant 0 : i32
      %dma_wait3A_72 = tpu.memref_slice %arg4[%arg1, %dma_wait3A_70, %dma_wait3A_71] : memref<16x50x400xi32, #tpu.memory_space<hbm>> -> memref<1x50x400xi32, #tpu.memory_space<hbm>>
      %dma_wait3A_73 = tpu.memref_squeeze %dma_wait3A_72 : memref<1x50x400xi32, #tpu.memory_space<hbm>> -> memref<50x400xi32, #tpu.memory_space<hbm>>
      %dma_wait3A_74 = arith.constant 25 : i32
      %dma_wait3A_75 = arith.constant 0 : i32
      %dma_wait3A_76 = tpu.memref_slice %dma_wait3A_73[%dma_wait3A_74, %dma_wait3A_75] : memref<50x400xi32, #tpu.memory_space<hbm>> -> memref<25x400xi32, #tpu.memory_space<hbm>>
      %dma_wait3A_77 = arith.constant 0 : i32
      %dma_wait3A_78 = arith.constant 0 : i32
      %dma_wait3A_79 = tpu.memref_slice %arg4[%arg1, %dma_wait3A_77, %dma_wait3A_78] : memref<16x50x400xi32, #tpu.memory_space<hbm>> -> memref<1x50x400xi32, #tpu.memory_space<hbm>>
      %dma_wait3A_80 = tpu.memref_squeeze %dma_wait3A_79 : memref<1x50x400xi32, #tpu.memory_space<hbm>> -> memref<50x400xi32, #tpu.memory_space<hbm>>
      %dma_wait3A_81 = arith.constant 25 : i32
      %dma_wait3A_82 = arith.constant 0 : i32
      %dma_wait3A_83 = tpu.memref_slice %dma_wait3A_80[%dma_wait3A_81, %dma_wait3A_82] : memref<50x400xi32, #tpu.memory_space<hbm>> -> memref<25x400xi32, #tpu.memory_space<hbm>>
      tpu.wait_dma2 semaphore(%run_scoped3A_55 : memref<!tpu.dma_semaphore, #tpu.memory_space<semaphore_mem>>) src(%dma_wait3A_83 : memref<25x400xi32, #tpu.memory_space<hbm>>) dst(%arg7 : memref<25x400xi32, #tpu.memory_space<vmem>>)
      tpu.yield
    }) : () -> ()
    "tpu.region"() ({
      %run_scoped3A_55 = tpu.sem_alloc : memref<!tpu.dma_semaphore, #tpu.memory_space<semaphore_mem>>
      %dma_start3A_56 = arith.constant 0 : i32
      %dma_start3A_57 = arith.constant 0 : i32
      %dma_start3A_58 = tpu.memref_slice %arg5[%arg1, %dma_start3A_56, %dma_start3A_57] : memref<16x50x400xi32, #tpu.memory_space<hbm>> -> memref<1x50x400xi32, #tpu.memory_space<hbm>>
      %dma_start3A_59 = tpu.memref_squeeze %dma_start3A_58 : memref<1x50x400xi32, #tpu.memory_space<hbm>> -> memref<50x400xi32, #tpu.memory_space<hbm>>
      %dma_start3A_60 = arith.constant 25 : i32
      %dma_start3A_61 = arith.constant 0 : i32
      %dma_start3A_62 = tpu.memref_slice %dma_start3A_59[%dma_start3A_60, %dma_start3A_61] : memref<50x400xi32, #tpu.memory_space<hbm>> -> memref<25x400xi32, #tpu.memory_space<hbm>>
      %dma_start3A_63 = arith.constant 0 : i32
      %dma_start3A_64 = arith.constant 0 : i32
      %dma_start3A_65 = tpu.memref_slice %arg5[%arg1, %dma_start3A_63, %dma_start3A_64] : memref<16x50x400xi32, #tpu.memory_space<hbm>> -> memref<1x50x400xi32, #tpu.memory_space<hbm>>
      %dma_start3A_66 = tpu.memref_squeeze %dma_start3A_65 : memref<1x50x400xi32, #tpu.memory_space<hbm>> -> memref<50x400xi32, #tpu.memory_space<hbm>>
      %dma_start3A_67 = arith.constant 25 : i32
      %dma_start3A_68 = arith.constant 0 : i32
      %dma_start3A_69 = tpu.memref_slice %dma_start3A_66[%dma_start3A_67, %dma_start3A_68] : memref<50x400xi32, #tpu.memory_space<hbm>> -> memref<25x400xi32, #tpu.memory_space<hbm>>
      tpu.enqueue_dma source(%dma_start3A_69 : memref<25x400xi32, #tpu.memory_space<hbm>>) target(%arg8 : memref<25x400xi32, #tpu.memory_space<vmem>>) target_semaphore(%run_scoped3A_55 : memref<!tpu.dma_semaphore, #tpu.memory_space<semaphore_mem>>)
      %dma_wait3A_70 = arith.constant 0 : i32
      %dma_wait3A_71 = arith.constant 0 : i32
      %dma_wait3A_72 = tpu.memref_slice %arg5[%arg1, %dma_wait3A_70, %dma_wait3A_71] : memref<16x50x400xi32, #tpu.memory_space<hbm>> -> memref<1x50x400xi32, #tpu.memory_space<hbm>>
      %dma_wait3A_73 = tpu.memref_squeeze %dma_wait3A_72 : memref<1x50x400xi32, #tpu.memory_space<hbm>> -> memref<50x400xi32, #tpu.memory_space<hbm>>
      %dma_wait3A_74 = arith.constant 25 : i32
      %dma_wait3A_75 = arith.constant 0 : i32
      %dma_wait3A_76 = tpu.memref_slice %dma_wait3A_73[%dma_wait3A_74, %dma_wait3A_75] : memref<50x400xi32, #tpu.memory_space<hbm>> -> memref<25x400xi32, #tpu.memory_space<hbm>>
      %dma_wait3A_77 = arith.constant 0 : i32
      %dma_wait3A_78 = arith.constant 0 : i32
      %dma_wait3A_79 = tpu.memref_slice %arg5[%arg1, %dma_wait3A_77, %dma_wait3A_78] : memref<16x50x400xi32, #tpu.memory_space<hbm>> -> memref<1x50x400xi32, #tpu.memory_space<hbm>>
      %dma_wait3A_80 = tpu.memref_squeeze %dma_wait3A_79 : memref<1x50x400xi32, #tpu.memory_space<hbm>> -> memref<50x400xi32, #tpu.memory_space<hbm>>
      %dma_wait3A_81 = arith.constant 25 : i32
      %dma_wait3A_82 = arith.constant 0 : i32
      %dma_wait3A_83 = tpu.memref_slice %dma_wait3A_80[%dma_wait3A_81, %dma_wait3A_82] : memref<50x400xi32, #tpu.memory_space<hbm>> -> memref<25x400xi32, #tpu.memory_space<hbm>>
      tpu.wait_dma2 semaphore(%run_scoped3A_55 : memref<!tpu.dma_semaphore, #tpu.memory_space<semaphore_mem>>) src(%dma_wait3A_83 : memref<25x400xi32, #tpu.memory_space<hbm>>) dst(%arg8 : memref<25x400xi32, #tpu.memory_space<vmem>>)
      tpu.yield
    }) : () -> ()
    %dma_start3A_24 = arith.constant 0 : i32
    %dma_start3A_25 = arith.constant 0 : i32
    %dma_start3A_26 = tpu.memref_slice %arg7[%dma_start3A_24, %dma_start3A_25] : memref<25x400xi32, #tpu.memory_space<vmem>> -> memref<1x400xi32, #tpu.memory_space<vmem>>
    %dma_start3A_27 = tpu.memref_squeeze %dma_start3A_26 : memref<1x400xi32, #tpu.memory_space<vmem>> -> memref<400xi32, #tpu.memory_space<vmem>>
    %dma_start3A_28 = arith.constant 0 : i32
    %dma_start3A_29 = tpu.memref_slice %arg2[%arg0, %dma_start3A_28] : memref<20000x64xf32, #tpu.memory_space<hbm>> -> memref<19999x64xf32, #tpu.memory_space<hbm>>
    %dma_start3A_30 = arith.constant 0 : i32
    %dma_start3A_31 = arith.constant 0 : i32
    %dma_start3A_32 = tpu.memref_slice %dma_start3A_29[%dma_start3A_30, %dma_start3A_31] : memref<19999x64xf32, #tpu.memory_space<hbm>> -> memref<19999x64xf32, #tpu.memory_space<hbm>>
    tpu.enqueue_indirect_dma source(%dma_start3A_32 : memref<19999x64xf32, #tpu.memory_space<hbm>>) target(%arg9 : memref<400x64xf32, #tpu.memory_space<vmem>>) offsets(%dma_start3A_27 : memref<400xi32, #tpu.memory_space<vmem>>) semaphore(%arg12 : memref<!tpu.dma_semaphore, #tpu.memory_space<semaphore_mem>>)
    %scan3A_33 = arith.constant 0 : i32
    %scan3A_34 = arith.constant 0 : i32
    %scan3A_35 = arith.constant 12 : i32
    %scan3A_36 = arith.addi %scan3A_34, %scan3A_35 : i32
    %scan3A_37 = arith.constant 1 : i32
    scf.for %scan3A_55 = %scan3A_34 to %scan3A_36 step %scan3A_37  : i32 {
      %mul3A_56 = arith.constant 2 : i32
      %mul3A_57 = arith.muli %mul3A_56, %scan3A_55 : i32
      %add3A = arith.constant 1 : i32
      %add3A_58 = arith.addi %mul3A_57, %add3A : i32
      %dma_start3A_59 = arith.constant 0 : i32
      %dma_start3A_60 = tpu.memref_slice %arg7[%add3A_58, %dma_start3A_59] : memref<25x400xi32, #tpu.memory_space<vmem>> -> memref<1x400xi32, #tpu.memory_space<vmem>>
      %dma_start3A_61 = tpu.memref_squeeze %dma_start3A_60 : memref<1x400xi32, #tpu.memory_space<vmem>> -> memref<400xi32, #tpu.memory_space<vmem>>
      %dma_start3A_62 = arith.constant 0 : i32
      %dma_start3A_63 = tpu.memref_slice %arg2[%arg0, %dma_start3A_62] : memref<20000x64xf32, #tpu.memory_space<hbm>> -> memref<19999x64xf32, #tpu.memory_space<hbm>>
      %dma_start3A_64 = arith.constant 0 : i32
      %dma_start3A_65 = arith.constant 0 : i32
      %dma_start3A_66 = tpu.memref_slice %dma_start3A_63[%dma_start3A_64, %dma_start3A_65] : memref<19999x64xf32, #tpu.memory_space<hbm>> -> memref<19999x64xf32, #tpu.memory_space<hbm>>
      tpu.enqueue_indirect_dma source(%dma_start3A_66 : memref<19999x64xf32, #tpu.memory_space<hbm>>) target(%arg10 : memref<400x64xf32, #tpu.memory_space<vmem>>) offsets(%dma_start3A_61 : memref<400xi32, #tpu.memory_space<vmem>>) semaphore(%arg13 : memref<!tpu.dma_semaphore, #tpu.memory_space<semaphore_mem>>)
      %dma_wait3A_67 = arith.constant 0 : i32
      %dma_wait3A_68 = arith.constant 0 : i32
      %dma_wait3A_69 = tpu.memref_slice %arg7[%dma_wait3A_67, %dma_wait3A_68] : memref<25x400xi32, #tpu.memory_space<vmem>> -> memref<1x400xi32, #tpu.memory_space<vmem>>
      %dma_wait3A_70 = tpu.memref_squeeze %dma_wait3A_69 : memref<1x400xi32, #tpu.memory_space<vmem>> -> memref<400xi32, #tpu.memory_space<vmem>>
      %dma_wait3A_71 = arith.constant 0 : i32
      %dma_wait3A_72 = tpu.memref_slice %arg2[%arg0, %dma_wait3A_71] : memref<20000x64xf32, #tpu.memory_space<hbm>> -> memref<19999x64xf32, #tpu.memory_space<hbm>>
      %dma_wait3A_73 = arith.constant 0 : i32
      %dma_wait3A_74 = arith.constant 0 : i32
      %dma_wait3A_75 = tpu.memref_slice %dma_wait3A_72[%dma_wait3A_73, %dma_wait3A_74] : memref<19999x64xf32, #tpu.memory_space<hbm>> -> memref<19999x64xf32, #tpu.memory_space<hbm>>
      tpu.wait_indirect_dma semaphore(%arg12 : memref<!tpu.dma_semaphore, #tpu.memory_space<semaphore_mem>>) src(%dma_wait3A_75 : memref<19999x64xf32, #tpu.memory_space<hbm>>) dst(%arg9 : memref<400x64xf32, #tpu.memory_space<vmem>>)
      "tpu.region"() ({
        %run_scoped3A_95 = tpu.sem_alloc : memref<!tpu.dma_semaphore, #tpu.memory_space<semaphore_mem>>
        %dma_start3A_96 = arith.constant 0 : i32
        %dma_start3A_97 = tpu.memref_slice %arg8[%mul3A_57, %dma_start3A_96] : memref<25x400xi32, #tpu.memory_space<vmem>> -> memref<1x400xi32, #tpu.memory_space<vmem>>
        %dma_start3A_98 = tpu.memref_squeeze %dma_start3A_97 : memref<1x400xi32, #tpu.memory_space<vmem>> -> memref<400xi32, #tpu.memory_space<vmem>>
        %dma_start3A_99 = arith.constant 0 : i32
        %dma_start3A_100 = arith.constant 0 : i32
        %dma_start3A_101 = tpu.memref_slice %arg11[%dma_start3A_99, %dma_start3A_100] : memref<10000x64xf32, #tpu.memory_space<vmem_shared>> -> memref<10000x64xf32, #tpu.memory_space<vmem_shared>>
        tpu.enqueue_indirect_dma source(%arg9 : memref<400x64xf32, #tpu.memory_space<vmem>>) target(%dma_start3A_101 : memref<10000x64xf32, #tpu.memory_space<vmem_shared>>) offsets(%dma_start3A_98 : memref<400xi32, #tpu.memory_space<vmem>>) semaphore(%run_scoped3A_95 : memref<!tpu.dma_semaphore, #tpu.memory_space<semaphore_mem>>) {add = true}
        %dma_wait3A_102 = arith.constant 0 : i32
        %dma_wait3A_103 = tpu.memref_slice %arg8[%mul3A_57, %dma_wait3A_102] : memref<25x400xi32, #tpu.memory_space<vmem>> -> memref<1x400xi32, #tpu.memory_space<vmem>>
        %dma_wait3A_104 = tpu.memref_squeeze %dma_wait3A_103 : memref<1x400xi32, #tpu.memory_space<vmem>> -> memref<400xi32, #tpu.memory_space<vmem>>
        %dma_wait3A_105 = arith.constant 0 : i32
        %dma_wait3A_106 = arith.constant 0 : i32
        %dma_wait3A_107 = tpu.memref_slice %arg11[%dma_wait3A_105, %dma_wait3A_106] : memref<10000x64xf32, #tpu.memory_space<vmem_shared>> -> memref<10000x64xf32, #tpu.memory_space<vmem_shared>>
        tpu.wait_indirect_dma semaphore(%run_scoped3A_95 : memref<!tpu.dma_semaphore, #tpu.memory_space<semaphore_mem>>) src(%arg9 : memref<400x64xf32, #tpu.memory_space<vmem>>) dst(%dma_wait3A_107 : memref<10000x64xf32, #tpu.memory_space<vmem_shared>>)
        tpu.yield
      }) : () -> ()
      %add3A_76 = arith.constant 2 : i32
      %add3A_77 = arith.addi %mul3A_57, %add3A_76 : i32
      %dma_start3A_78 = arith.constant 0 : i32
      %dma_start3A_79 = tpu.memref_slice %arg7[%add3A_77, %dma_start3A_78] : memref<25x400xi32, #tpu.memory_space<vmem>> -> memref<1x400xi32, #tpu.memory_space<vmem>>
      %dma_start3A_80 = tpu.memref_squeeze %dma_start3A_79 : memref<1x400xi32, #tpu.memory_space<vmem>> -> memref<400xi32, #tpu.memory_space<vmem>>
      %dma_start3A_81 = arith.constant 0 : i32
      %dma_start3A_82 = tpu.memref_slice %arg2[%arg0, %dma_start3A_81] : memref<20000x64xf32, #tpu.memory_space<hbm>> -> memref<19999x64xf32, #tpu.memory_space<hbm>>
      %dma_start3A_83 = arith.constant 0 : i32
      %dma_start3A_84 = arith.constant 0 : i32
      %dma_start3A_85 = tpu.memref_slice %dma_start3A_82[%dma_start3A_83, %dma_start3A_84] : memref<19999x64xf32, #tpu.memory_space<hbm>> -> memref<19999x64xf32, #tpu.memory_space<hbm>>
      tpu.enqueue_indirect_dma source(%dma_start3A_85 : memref<19999x64xf32, #tpu.memory_space<hbm>>) target(%arg9 : memref<400x64xf32, #tpu.memory_space<vmem>>) offsets(%dma_start3A_80 : memref<400xi32, #tpu.memory_space<vmem>>) semaphore(%arg12 : memref<!tpu.dma_semaphore, #tpu.memory_space<semaphore_mem>>)
      %dma_wait3A_86 = arith.constant 0 : i32
      %dma_wait3A_87 = arith.constant 0 : i32
      %dma_wait3A_88 = tpu.memref_slice %arg7[%dma_wait3A_86, %dma_wait3A_87] : memref<25x400xi32, #tpu.memory_space<vmem>> -> memref<1x400xi32, #tpu.memory_space<vmem>>
      %dma_wait3A_89 = tpu.memref_squeeze %dma_wait3A_88 : memref<1x400xi32, #tpu.memory_space<vmem>> -> memref<400xi32, #tpu.memory_space<vmem>>
      %dma_wait3A_90 = arith.constant 0 : i32
      %dma_wait3A_91 = tpu.memref_slice %arg2[%arg0, %dma_wait3A_90] : memref<20000x64xf32, #tpu.memory_space<hbm>> -> memref<19999x64xf32, #tpu.memory_space<hbm>>
      %dma_wait3A_92 = arith.constant 0 : i32
      %dma_wait3A_93 = arith.constant 0 : i32
      %dma_wait3A_94 = tpu.memref_slice %dma_wait3A_91[%dma_wait3A_92, %dma_wait3A_93] : memref<19999x64xf32, #tpu.memory_space<hbm>> -> memref<19999x64xf32, #tpu.memory_space<hbm>>
      tpu.wait_indirect_dma semaphore(%arg13 : memref<!tpu.dma_semaphore, #tpu.memory_space<semaphore_mem>>) src(%dma_wait3A_94 : memref<19999x64xf32, #tpu.memory_space<hbm>>) dst(%arg10 : memref<400x64xf32, #tpu.memory_space<vmem>>)
      "tpu.region"() ({
        %run_scoped3A_95 = tpu.sem_alloc : memref<!tpu.dma_semaphore, #tpu.memory_space<semaphore_mem>>
        %dma_start3A_96 = arith.constant 0 : i32
        %dma_start3A_97 = tpu.memref_slice %arg8[%add3A_58, %dma_start3A_96] : memref<25x400xi32, #tpu.memory_space<vmem>> -> memref<1x400xi32, #tpu.memory_space<vmem>>
        %dma_start3A_98 = tpu.memref_squeeze %dma_start3A_97 : memref<1x400xi32, #tpu.memory_space<vmem>> -> memref<400xi32, #tpu.memory_space<vmem>>
        %dma_start3A_99 = arith.constant 0 : i32
        %dma_start3A_100 = arith.constant 0 : i32
        %dma_start3A_101 = tpu.memref_slice %arg11[%dma_start3A_99, %dma_start3A_100] : memref<10000x64xf32, #tpu.memory_space<vmem_shared>> -> memref<10000x64xf32, #tpu.memory_space<vmem_shared>>
        tpu.enqueue_indirect_dma source(%arg10 : memref<400x64xf32, #tpu.memory_space<vmem>>) target(%dma_start3A_101 : memref<10000x64xf32, #tpu.memory_space<vmem_shared>>) offsets(%dma_start3A_98 : memref<400xi32, #tpu.memory_space<vmem>>) semaphore(%run_scoped3A_95 : memref<!tpu.dma_semaphore, #tpu.memory_space<semaphore_mem>>) {add = true}
        %dma_wait3A_102 = arith.constant 0 : i32
        %dma_wait3A_103 = tpu.memref_slice %arg8[%add3A_58, %dma_wait3A_102] : memref<25x400xi32, #tpu.memory_space<vmem>> -> memref<1x400xi32, #tpu.memory_space<vmem>>
        %dma_wait3A_104 = tpu.memref_squeeze %dma_wait3A_103 : memref<1x400xi32, #tpu.memory_space<vmem>> -> memref<400xi32, #tpu.memory_space<vmem>>
        %dma_wait3A_105 = arith.constant 0 : i32
        %dma_wait3A_106 = arith.constant 0 : i32
        %dma_wait3A_107 = tpu.memref_slice %arg11[%dma_wait3A_105, %dma_wait3A_106] : memref<10000x64xf32, #tpu.memory_space<vmem_shared>> -> memref<10000x64xf32, #tpu.memory_space<vmem_shared>>
        tpu.wait_indirect_dma semaphore(%run_scoped3A_95 : memref<!tpu.dma_semaphore, #tpu.memory_space<semaphore_mem>>) src(%arg10 : memref<400x64xf32, #tpu.memory_space<vmem>>) dst(%dma_wait3A_107 : memref<10000x64xf32, #tpu.memory_space<vmem_shared>>)
        tpu.yield
      }) : () -> ()
    }
    %scan3A_38 = arith.constant 12 : i32
    %dma_wait3A_39 = arith.constant 0 : i32
    %dma_wait3A_40 = arith.constant 0 : i32
    %dma_wait3A_41 = tpu.memref_slice %arg7[%dma_wait3A_39, %dma_wait3A_40] : memref<25x400xi32, #tpu.memory_space<vmem>> -> memref<1x400xi32, #tpu.memory_space<vmem>>
    %dma_wait3A_42 = tpu.memref_squeeze %dma_wait3A_41 : memref<1x400xi32, #tpu.memory_space<vmem>> -> memref<400xi32, #tpu.memory_space<vmem>>
    %dma_wait3A_43 = arith.constant 0 : i32
    %dma_wait3A_44 = tpu.memref_slice %arg2[%arg0, %dma_wait3A_43] : memref<20000x64xf32, #tpu.memory_space<hbm>> -> memref<19999x64xf32, #tpu.memory_space<hbm>>
    %dma_wait3A_45 = arith.constant 0 : i32
    %dma_wait3A_46 = arith.constant 0 : i32
    %dma_wait3A_47 = tpu.memref_slice %dma_wait3A_44[%dma_wait3A_45, %dma_wait3A_46] : memref<19999x64xf32, #tpu.memory_space<hbm>> -> memref<19999x64xf32, #tpu.memory_space<hbm>>
    tpu.wait_indirect_dma semaphore(%arg12 : memref<!tpu.dma_semaphore, #tpu.memory_space<semaphore_mem>>) src(%dma_wait3A_47 : memref<19999x64xf32, #tpu.memory_space<hbm>>) dst(%arg9 : memref<400x64xf32, #tpu.memory_space<vmem>>)
    %run_scoped3A_48 = arith.constant 24 : i32
    "tpu.region"() ({
      %run_scoped3A_55 = tpu.sem_alloc : memref<!tpu.dma_semaphore, #tpu.memory_space<semaphore_mem>>
      %dma_start3A_56 = arith.constant 0 : i32
      %dma_start3A_57 = tpu.memref_slice %arg8[%run_scoped3A_48, %dma_start3A_56] : memref<25x400xi32, #tpu.memory_space<vmem>> -> memref<1x400xi32, #tpu.memory_space<vmem>>
      %dma_start3A_58 = tpu.memref_squeeze %dma_start3A_57 : memref<1x400xi32, #tpu.memory_space<vmem>> -> memref<400xi32, #tpu.memory_space<vmem>>
      %dma_start3A_59 = arith.constant 0 : i32
      %dma_start3A_60 = arith.constant 0 : i32
      %dma_start3A_61 = tpu.memref_slice %arg11[%dma_start3A_59, %dma_start3A_60] : memref<10000x64xf32, #tpu.memory_space<vmem_shared>> -> memref<10000x64xf32, #tpu.memory_space<vmem_shared>>
      tpu.enqueue_indirect_dma source(%arg9 : memref<400x64xf32, #tpu.memory_space<vmem>>) target(%dma_start3A_61 : memref<10000x64xf32, #tpu.memory_space<vmem_shared>>) offsets(%dma_start3A_58 : memref<400xi32, #tpu.memory_space<vmem>>) semaphore(%run_scoped3A_55 : memref<!tpu.dma_semaphore, #tpu.memory_space<semaphore_mem>>) {add = true}
      %dma_wait3A_62 = arith.constant 0 : i32
      %dma_wait3A_63 = tpu.memref_slice %arg8[%run_scoped3A_48, %dma_wait3A_62] : memref<25x400xi32, #tpu.memory_space<vmem>> -> memref<1x400xi32, #tpu.memory_space<vmem>>
      %dma_wait3A_64 = tpu.memref_squeeze %dma_wait3A_63 : memref<1x400xi32, #tpu.memory_space<vmem>> -> memref<400xi32, #tpu.memory_space<vmem>>
      %dma_wait3A_65 = arith.constant 0 : i32
      %dma_wait3A_66 = arith.constant 0 : i32
      %dma_wait3A_67 = tpu.memref_slice %arg11[%dma_wait3A_65, %dma_wait3A_66] : memref<10000x64xf32, #tpu.memory_space<vmem_shared>> -> memref<10000x64xf32, #tpu.memory_space<vmem_shared>>
      tpu.wait_indirect_dma semaphore(%run_scoped3A_55 : memref<!tpu.dma_semaphore, #tpu.memory_space<semaphore_mem>>) src(%arg9 : memref<400x64xf32, #tpu.memory_space<vmem>>) dst(%dma_wait3A_67 : memref<10000x64xf32, #tpu.memory_space<vmem_shared>>)
      tpu.yield
    }) : () -> ()
    %barrier3A_49 = arith.constant 0 : index
    tpu.barrier barrier_id(%barrier3A_49)
    "tpu.region"() ({
      %run_scoped3A_55 = tpu.sem_alloc : memref<!tpu.dma_semaphore, #tpu.memory_space<semaphore_mem>>
      %dma_start3A_56 = arith.constant 0 : i32
      %dma_start3A_57 = arith.constant 0 : i32
      %dma_start3A_58 = tpu.memref_slice %arg6[%arg0, %dma_start3A_56, %dma_start3A_57] : memref<2x10000x64xf32, #tpu.memory_space<hbm>> -> memref<1x10000x64xf32, #tpu.memory_space<hbm>>
      %dma_start3A_59 = tpu.memref_squeeze %dma_start3A_58 : memref<1x10000x64xf32, #tpu.memory_space<hbm>> -> memref<10000x64xf32, #tpu.memory_space<hbm>>
      %dma_start3A_60 = arith.constant 0 : i32
      %dma_start3A_61 = tpu.memref_slice %dma_start3A_59[%mul3A_0, %dma_start3A_60] : memref<10000x64xf32, #tpu.memory_space<hbm>> -> memref<624x64xf32, #tpu.memory_space<hbm>>
      %dma_start3A_62 = arith.constant 0 : i32
      %dma_start3A_63 = tpu.memref_slice %arg11[%mul3A_0, %dma_start3A_62] : memref<10000x64xf32, #tpu.memory_space<vmem_shared>> -> memref<624x64xf32, #tpu.memory_space<vmem_shared>>
      tpu.enqueue_dma source(%dma_start3A_63 : memref<624x64xf32, #tpu.memory_space<vmem_shared>>) target(%dma_start3A_61 : memref<624x64xf32, #tpu.memory_space<hbm>>) target_semaphore(%run_scoped3A_55 : memref<!tpu.dma_semaphore, #tpu.memory_space<semaphore_mem>>)
      %dma_wait3A_64 = arith.constant 0 : i32
      %dma_wait3A_65 = arith.constant 0 : i32
      %dma_wait3A_66 = tpu.memref_slice %arg6[%arg0, %dma_wait3A_64, %dma_wait3A_65] : memref<2x10000x64xf32, #tpu.memory_space<hbm>> -> memref<1x10000x64xf32, #tpu.memory_space<hbm>>
      %dma_wait3A_67 = tpu.memref_squeeze %dma_wait3A_66 : memref<1x10000x64xf32, #tpu.memory_space<hbm>> -> memref<10000x64xf32, #tpu.memory_space<hbm>>
      %dma_wait3A_68 = arith.constant 0 : i32
      %dma_wait3A_69 = tpu.memref_slice %dma_wait3A_67[%mul3A_0, %dma_wait3A_68] : memref<10000x64xf32, #tpu.memory_space<hbm>> -> memref<624x64xf32, #tpu.memory_space<hbm>>
      %dma_wait3A_70 = arith.constant 0 : i32
      %dma_wait3A_71 = tpu.memref_slice %arg11[%mul3A_0, %dma_wait3A_70] : memref<10000x64xf32, #tpu.memory_space<vmem_shared>> -> memref<624x64xf32, #tpu.memory_space<vmem_shared>>
      tpu.wait_dma2 semaphore(%run_scoped3A_55 : memref<!tpu.dma_semaphore, #tpu.memory_space<semaphore_mem>>) src(%dma_wait3A_71 : memref<624x64xf32, #tpu.memory_space<vmem_shared>>) dst(%dma_wait3A_69 : memref<624x64xf32, #tpu.memory_space<hbm>>)
      tpu.yield
    }) : () -> ()
    %eq3A_50 = arith.constant 15 : i32
    %eq3A_51 = arith.cmpi eq, %arg1, %eq3A_50 : i32
    %convert_element_type3A_52 = arith.extui %eq3A_51 : i1 to i32
    %cond3A_53 = arith.constant 0 : i32
    %cond3A_54 = arith.cmpi ne, %convert_element_type3A_52, %cond3A_53 : i32
    scf.if %cond3A_54 {
      "tpu.region"() ({
        %run_scoped3A_55 = tpu.sem_alloc : memref<!tpu.dma_semaphore, #tpu.memory_space<semaphore_mem>>
        %dma_start3A_56 = arith.constant 0 : i32
        %dma_start3A_57 = arith.constant 0 : i32
        %dma_start3A_58 = tpu.memref_slice %arg6[%arg0, %dma_start3A_56, %dma_start3A_57] : memref<2x10000x64xf32, #tpu.memory_space<hbm>> -> memref<1x10000x64xf32, #tpu.memory_space<hbm>>
        %dma_start3A_59 = tpu.memref_squeeze %dma_start3A_58 : memref<1x10000x64xf32, #tpu.memory_space<hbm>> -> memref<10000x64xf32, #tpu.memory_space<hbm>>
        %dma_start3A_60 = arith.constant 9984 : i32
        %dma_start3A_61 = arith.constant 0 : i32
        %dma_start3A_62 = tpu.memref_slice %dma_start3A_59[%dma_start3A_60, %dma_start3A_61] : memref<10000x64xf32, #tpu.memory_space<hbm>> -> memref<16x64xf32, #tpu.memory_space<hbm>>
        %dma_start3A_63 = arith.constant 9984 : i32
        %dma_start3A_64 = arith.constant 0 : i32
        %dma_start3A_65 = tpu.memref_slice %arg11[%dma_start3A_63, %dma_start3A_64] : memref<10000x64xf32, #tpu.memory_space<vmem_shared>> -> memref<16x64xf32, #tpu.memory_space<vmem_shared>>
        tpu.enqueue_dma source(%dma_start3A_65 : memref<16x64xf32, #tpu.memory_space<vmem_shared>>) target(%dma_start3A_62 : memref<16x64xf32, #tpu.memory_space<hbm>>) target_semaphore(%run_scoped3A_55 : memref<!tpu.dma_semaphore, #tpu.memory_space<semaphore_mem>>)
        %dma_wait3A_66 = arith.constant 0 : i32
        %dma_wait3A_67 = arith.constant 0 : i32
        %dma_wait3A_68 = tpu.memref_slice %arg6[%arg0, %dma_wait3A_66, %dma_wait3A_67] : memref<2x10000x64xf32, #tpu.memory_space<hbm>> -> memref<1x10000x64xf32, #tpu.memory_space<hbm>>
        %dma_wait3A_69 = tpu.memref_squeeze %dma_wait3A_68 : memref<1x10000x64xf32, #tpu.memory_space<hbm>> -> memref<10000x64xf32, #tpu.memory_space<hbm>>
        %dma_wait3A_70 = arith.constant 9984 : i32
        %dma_wait3A_71 = arith.constant 0 : i32
        %dma_wait3A_72 = tpu.memref_slice %dma_wait3A_69[%dma_wait3A_70, %dma_wait3A_71] : memref<10000x64xf32, #tpu.memory_space<hbm>> -> memref<16x64xf32, #tpu.memory_space<hbm>>
        %dma_wait3A_73 = arith.constant 9984 : i32
        %dma_wait3A_74 = arith.constant 0 : i32
        %dma_wait3A_75 = tpu.memref_slice %arg11[%dma_wait3A_73, %dma_wait3A_74] : memref<10000x64xf32, #tpu.memory_space<vmem_shared>> -> memref<16x64xf32, #tpu.memory_space<vmem_shared>>
        tpu.wait_dma2 semaphore(%run_scoped3A_55 : memref<!tpu.dma_semaphore, #tpu.memory_space<semaphore_mem>>) src(%dma_wait3A_75 : memref<16x64xf32, #tpu.memory_space<vmem_shared>>) dst(%dma_wait3A_72 : memref<16x64xf32, #tpu.memory_space<hbm>>)
        tpu.yield
      }) : () -> ()
    } else {
    }
    return
  }
}

module attributes {stable_mosaic.version = 14 : i64} {
  func.func @_mlp_body(%arg0: i32, %arg1: memref<2x1000x64xf32, #tpu.memory_space<vmem>>, %arg2: memref<1000x128xf32, #tpu.memory_space<vmem>>, %arg3: memref<128x128xf32, #tpu.memory_space<vmem>>, %arg4: memref<1x128xf32, #tpu.memory_space<vmem>>, %arg5: memref<128x128xf32, #tpu.memory_space<vmem>>, %arg6: memref<1x128xf32, #tpu.memory_space<vmem>>, %arg7: memref<1000x128xf32, #tpu.memory_space<vmem>>) attributes {dimension_semantics = [#tpu.dimension_semantics<arbitrary>], iteration_bounds = array<i64: 10>, scalar_prefetch = 0 : i64, scratch_operands = 0 : i64, tpu.core_type = #tpu.core_type<tc>, window_params = [{transform_indices = @transform_0, window_bounds = array<i64: 2, 1000, 64>}, {transform_indices = @transform_1, window_bounds = array<i64: 1000, 128>}, {pipeline_mode = #tpu.pipeline_mode<synchronous>, transform_indices = @transform_2, window_bounds = array<i64: 128, 128>}, {pipeline_mode = #tpu.pipeline_mode<synchronous>, transform_indices = @transform_3, window_bounds = array<i64: 1, 128>}, {pipeline_mode = #tpu.pipeline_mode<synchronous>, transform_indices = @transform_4, window_bounds = array<i64: 128, 128>}, {pipeline_mode = #tpu.pipeline_mode<synchronous>, transform_indices = @transform_5, window_bounds = array<i64: 1, 128>}, {transform_indices = @transform_6, window_bounds = array<i64: 1000, 128>}]} {
    %get3A = arith.constant 0 : index
    %get3A_0 = arith.constant 0 : index
    %get3A_1 = arith.constant 0 : index
    %get3A_2 = vector.load %arg1[%get3A, %get3A_0, %get3A_1] : memref<2x1000x64xf32, #tpu.memory_space<vmem>>, vector<1x1000x64xf32>
    %get3A_3 = vector.shape_cast %get3A_2 : vector<1x1000x64xf32> to vector<1000x64xf32>
    %get3A_4 = arith.constant 1 : index
    %get3A_5 = arith.constant 0 : index
    %get3A_6 = arith.constant 0 : index
    %get3A_7 = vector.load %arg1[%get3A_4, %get3A_5, %get3A_6] : memref<2x1000x64xf32, #tpu.memory_space<vmem>>, vector<1x1000x64xf32>
    %get3A_8 = vector.shape_cast %get3A_7 : vector<1x1000x64xf32> to vector<1000x64xf32>
    %concatenate3A = tpu.concatenate %get3A_3, %get3A_8 in 1 : vector<1000x64xf32>, vector<1000x64xf32> -> vector<1000x128xf32>
    %get3A_9 = arith.constant 0 : index
    %get3A_10 = arith.constant 0 : index
    %get3A_11 = vector.load %arg2[%get3A_9, %get3A_10] : memref<1000x128xf32, #tpu.memory_space<vmem>>, vector<1000x128xf32>
    %add3A = arith.addf %concatenate3A, %get3A_11 : vector<1000x128xf32>
    %get3A_12 = arith.constant 0 : index
    %get3A_13 = arith.constant 0 : index
    %get3A_14 = vector.load %arg3[%get3A_12, %get3A_13] : memref<128x128xf32, #tpu.memory_space<vmem>>, vector<128x128xf32>
    %dot_general3A = arith.constant dense<0.000000e+00> : vector<1000x128xf32>
    %dot_general3A_15 = tpu.matmul %add3A, %get3A_14, %dot_general3A {dimension_numbers = #tpu.dot_dimension_numbers<[1], [0], [0], [1], [0, 0, 1, 1], [], []>, transpose_lhs_hint = false} : vector<1000x128xf32>, vector<128x128xf32>, vector<1000x128xf32> -> vector<1000x128xf32>
    %get3A_16 = arith.constant 0 : index
    %get3A_17 = arith.constant 0 : index
    %get3A_18 = vector.load %arg4[%get3A_16, %get3A_17] : memref<1x128xf32, #tpu.memory_space<vmem>>, vector<1x128xf32>
    %add3A_19 = vector.broadcast %get3A_18 : vector<1x128xf32> to vector<1000x128xf32>
    %add3A_20 = arith.addf %dot_general3A_15, %add3A_19 : vector<1000x128xf32>
    %max3A = arith.constant 0.000000e+00 : f32
    %max3A_21 = vector.broadcast %max3A : f32 to vector<1000x128xf32>
    %max3A_22 = arith.maximumf %add3A_20, %max3A_21 : vector<1000x128xf32>
    %get3A_23 = arith.constant 0 : index
    %get3A_24 = arith.constant 0 : index
    %get3A_25 = vector.load %arg5[%get3A_23, %get3A_24] : memref<128x128xf32, #tpu.memory_space<vmem>>, vector<128x128xf32>
    %dot_general3A_26 = arith.constant dense<0.000000e+00> : vector<1000x128xf32>
    %dot_general3A_27 = tpu.matmul %max3A_22, %get3A_25, %dot_general3A_26 {dimension_numbers = #tpu.dot_dimension_numbers<[1], [0], [0], [1], [0, 0, 1, 1], [], []>, transpose_lhs_hint = false} : vector<1000x128xf32>, vector<128x128xf32>, vector<1000x128xf32> -> vector<1000x128xf32>
    %get3A_28 = arith.constant 0 : index
    %get3A_29 = arith.constant 0 : index
    %get3A_30 = vector.load %arg6[%get3A_28, %get3A_29] : memref<1x128xf32, #tpu.memory_space<vmem>>, vector<1x128xf32>
    %add3A_31 = vector.broadcast %get3A_30 : vector<1x128xf32> to vector<1000x128xf32>
    %add3A_32 = arith.addf %dot_general3A_27, %add3A_31 : vector<1000x128xf32>
    %swap3A = arith.constant 0 : index
    %swap3A_33 = arith.constant 0 : index
    %swap3A_34 = vector.load %arg7[%swap3A, %swap3A_33] : memref<1000x128xf32, #tpu.memory_space<vmem>>, vector<1000x128xf32>
    tpu.vector_store %arg7[%swap3A, %swap3A_33], %add3A_32 {strides = array<i32>} : memref<1000x128xf32, #tpu.memory_space<vmem>>, vector<1000x128xf32>,
    return
  }
  func.func @transform_0(%arg0: i32) -> (i32, i32, i32) {
    %c0_i32 = arith.constant 0 : i32
    %c0_i32_0 = arith.constant 0 : i32
    %c0_i32_1 = arith.constant 0 : i32
    return %c0_i32, %arg0, %c0_i32_0 : i32, i32, i32
  }
  func.func @transform_1(%arg0: i32) -> (i32, i32) {
    %c0_i32 = arith.constant 0 : i32
    %c0_i32_0 = arith.constant 0 : i32
    return %arg0, %c0_i32 : i32, i32
  }
  func.func @transform_2(%arg0: i32) -> (i32, i32) {
    %c0_i32 = arith.constant 0 : i32
    %c0_i32_0 = arith.constant 0 : i32
    %c0_i32_1 = arith.constant 0 : i32
    return %c0_i32, %c0_i32_0 : i32, i32
  }
  func.func @transform_3(%arg0: i32) -> (i32, i32) {
    %c0_i32 = arith.constant 0 : i32
    %c0_i32_0 = arith.constant 0 : i32
    %c0_i32_1 = arith.constant 0 : i32
    return %c0_i32, %c0_i32_0 : i32, i32
  }
  func.func @transform_4(%arg0: i32) -> (i32, i32) {
    %c0_i32 = arith.constant 0 : i32
    %c0_i32_0 = arith.constant 0 : i32
    %c0_i32_1 = arith.constant 0 : i32
    return %c0_i32, %c0_i32_0 : i32, i32
  }
  func.func @transform_5(%arg0: i32) -> (i32, i32) {
    %c0_i32 = arith.constant 0 : i32
    %c0_i32_0 = arith.constant 0 : i32
    %c0_i32_1 = arith.constant 0 : i32
    return %c0_i32, %c0_i32_0 : i32, i32
  }
  func.func @transform_6(%arg0: i32) -> (i32, i32) {
    %c0_i32 = arith.constant 0 : i32
    %c0_i32_0 = arith.constant 0 : i32
    return %arg0, %c0_i32 : i32, i32
  }
}

</mosaic_0001>

<sc_bundles>
// kernel: kernel.4.cloned.1.call-start
scs
__scs_entry_jumppad:
0x0: {  	(pc) =	sbr.rel $0x88, $3  }
0x1: {  	(tag) =	ssettag $0x0;
	lr =	simm.s32 $0x1  }
0x2: {  	[smem:$0x3F9B] =	sst lr;
	_ =	strace $0xD0000000  }
0x3: {  	_ = 	snop  }
0x4: {  	_ = 	snop  }
0x5: {  	_ = 	snop  }
0x6: {  	_ = 	snop  }
0x7: {  	_ = 	snop  }
__scs_overlays_trampoline_lowered:
0x8: {  	[smem:$0x3FAA] =	sst s0  }
0x9: {  	[smem:$0x3FAB] =	sst s1  }
0xa: {  	[smem:$0x3FAC] =	sst s2  }
0xb: {  	[smem:$0x3FAD] =	sst s3  }
0xc: {  	[smem:$0x3FAE] =	sst s4  }
0xd: {  	[smem:$0x3FAF] =	sst s5  }
0xe: {  	[smem:$0x3FB0] =	sst s6  }
0xf: {  	[smem:$0x3FB1] =	sst s7  }
0x10: {  	[smem:$0x3FB2] =	sst s8  }
0x11: {  	[smem:$0x3FB3] =	sst s9;
	s0 =	simm.s32 @!p0 $0x0  }
0x12: {  	s1 =	sld [smem:$0x3F99];
	s0 =	simm.s32 @p0 $0x1  }
0x13: {  	[smem:$0x3FB4] =	sst s0;
	s0 =	simm.s32 @!p1 $0x0  }
0x14: {  	s2 =	sld [smem:$0x3F98];
	s0 =	simm.s32 @p1 $0x1  }
0x15: {  	[smem:$0x3FB5] =	sst s0;
	s0 =	simm.s32 @!p2 $0x0  }
0x16: {  	s3 =	sld [smem:$0x3FDB];
	s0 =	simm.s32 @p2 $0x1  }
0x17: {  	s4 =	simm.s32 $0x1BF5;
	[smem:$0x3FB7] =	sst s0  }
0x18: {  	s0 =	sld [smem:$0x3F9A];
	_ =	swait.ge [sflag:s4], $0x0  }
0x19: {  	s7 =	sld [smem:$0x3F9B]  }
0x1a: {  	s8 =	sadd.s32 $0xFFFFE003, lr  }
0x1b: {  	s9 =	sadd.s32 $0xFFFFFEF7, lr;
	s5 =	simm.s32 $0xFFFFFFFF;
	p2 =	slt.u32 s8, $0xFFFFF086  }
0x1c: {  	p1 =	slt.u32 s9, $0xF7A;
	s5 =	simm.s32 @!p2 $0x0  }
0x1d: {  	s5 =	simm.s32 @p1 $0x1;
	p0 =	seq.s32 s7, s2  }
0x1e: {  	s7 =	smul.u32 @!p0 $0xF7A, s2;
	p2 =	seq.s32 @!p0 s5, $0x0  }
0x1f: {  	s9 =	smul.u32 $0xF7A, s1;
	s8 =	simm.s32 @!p0 $0x1BF5;
	p2 =	por !p2, p0  }
0x20: {  	[sflag:s8] =	ssyncset.s32 @!p0 $0xFFFFF086;
	s6 =	sadd.s32 @!p0 s3, s7;
	s7 =	simm.s32 @!p0 $0x108  }
0x21: {  	s3 =	sadd.s32 s3, s9;
	s6 =	sadd.s32 @!p0 $0x88, s6;
	s7 =	simm.s32 @p2 $0x1082  }
0x22: {  	[simem:s7], [sflag:s8] =	dma.local @!p0 [hbm:s6], $0xF7A  }
0x23: {  	s9 =	sor.u32 $0xD0000000, s2;
	s6 =	simm.s32 $0x108;
	_ =	swait.ge @!p0 [sflag:s8], $0x0  }
0x24: {  	s3 =	sadd.s32 $0x88, s3;
	s6 =	simm.s32 @!p1 $0x1082;
	[sflag:s4] =	ssyncset.s32 $0xFFFFF086  }
0x25: {  	[simem:s6], [sflag:s4] =	dma.local [hbm:s3], $0xF7A  }
0x26: {  	[smem:$0x3F9B] =	sst s1;
	(tag) =	ssettag s2;
	_ =	strace s9  }
0x27: {  	s1 =	sld [smem:$0x3FAB]  }
0x28: {  	s2 =	sld [smem:$0x3FAC]  }
0x29: {  	s4 =	sld [smem:$0x3FAE]  }
0x2a: {  	p0 =	seq.s32 s5, $0x0;
	s5 =	sld [smem:$0x3FAF]  }
0x2b: {  	s6 =	sld [smem:$0x3FB0]  }
0x2c: {  	s7 =	sld [smem:$0x3FB1]  }
0x2d: {  	s3 =	simm.s32 $0x108;
	s8 =	sld [smem:$0x3FB2]  }
0x2e: {  	s3 =	simm.s32 @!p0 $0x1082;
	s9 =	sld [smem:$0x3FB3]  }
0x2f: {  	lr =	sadd.s32 s0, s3;
	s0 =	sld [smem:$0x3FAA]  }
0x30: {  	s3 =	sld [smem:$0x3FAD]  }
0x31: {  	[smem:$0x3FB6] =	sst s10  }
0x32: {  	s10 =	sld [smem:$0x3FB4];
	_ =	sdelay $0x3  }
0x33: {  	p0 =	seq.s32 s10, $0x1;
	s10 =	sld [smem:$0x3FB6];
	_ =	sdelay $0x3  }
0x34: {  	[smem:$0x3FB6] =	sst s10  }
0x35: {  	s10 =	sld [smem:$0x3FB5];
	_ =	sdelay $0x3  }
0x36: {  	p1 =	seq.s32 s10, $0x1;
	s10 =	sld [smem:$0x3FB6];
	_ =	sdelay $0x3  }
0x37: {  	[smem:$0x3FB6] =	sst s10  }
0x38: {  	s10 =	sld [smem:$0x3FB7]  }
0x39: {  	_ = 	snop;
	(pc) =	sbr.ind lr, $3  }
0x3a: {  	_ = 	snop  }
0x3b: {  	_ = 	snop  }
0x3c: {  	p2 =	seq.s32 s10, $0x1;
	s10 =	sld [smem:$0x3FB6]  }
0x3d: {  	_ =	shalt  }
0x3e: {  	_ =	shalt  }
0x3f: {  	_ =	shalt  }
0x40: {  	_ =	shalt  }
0x41: {  	_ =	shalt  }
0x42: {  	_ =	shalt  }
0x43: {  	_ =	shalt  }
0x44: {  	_ =	shalt  }
0x45: {  	_ =	shalt  }
0x46: {  	_ =	shalt  }
0x47: {  	_ =	shalt  }
0x48: {  	_ =	shalt  }
0x49: {  	_ =	shalt  }
0x4a: {  	_ =	shalt  }
0x4b: {  	_ =	shalt  }
0x4c: {  	_ =	shalt  }
0x4d: {  	_ =	shalt  }
0x4e: {  	_ =	shalt  }
0x4f: {  	_ =	shalt  }
0x50: {  	_ =	shalt  }
0x51: {  	_ =	shalt  }
0x52: {  	_ =	shalt  }
0x53: {  	_ =	shalt  }
0x54: {  	_ =	shalt  }
0x55: {  	_ =	shalt  }
0x56: {  	_ =	shalt  }
0x57: {  	_ =	shalt  }
0x58: {  	_ =	shalt  }
0x59: {  	_ =	shalt  }
0x5a: {  	_ =	shalt  }
0x5b: {  	_ =	shalt  }
0x5c: {  	_ =	shalt  }
0x5d: {  	_ =	shalt  }
0x5e: {  	_ =	shalt  }
0x5f: {  	_ =	shalt  }
0x60: {  	_ =	shalt  }
0x61: {  	_ =	shalt  }
0x62: {  	_ =	shalt  }
0x63: {  	_ =	shalt  }
0x64: {  	_ =	shalt  }
0x65: {  	_ =	shalt  }
0x66: {  	_ =	shalt  }
0x67: {  	_ =	shalt  }
0x68: {  	_ =	shalt  }
0x69: {  	_ =	shalt  }
0x6a: {  	_ =	shalt  }
0x6b: {  	_ =	shalt  }
0x6c: {  	_ =	shalt  }
0x6d: {  	_ =	shalt  }
0x6e: {  	_ =	shalt  }
0x6f: {  	_ =	shalt  }
0x70: {  	_ =	shalt  }
0x71: {  	_ =	shalt  }
0x72: {  	_ =	shalt  }
0x73: {  	_ =	shalt  }
0x74: {  	_ =	shalt  }
0x75: {  	_ =	shalt  }
0x76: {  	_ =	shalt  }
0x77: {  	_ =	shalt  }
0x78: {  	_ =	shalt  }
0x79: {  	_ =	shalt  }
0x7a: {  	_ =	shalt  }
0x7b: {  	_ =	shalt  }
0x7c: {  	_ =	shalt  }
0x7d: {  	_ =	shalt  }
0x7e: {  	_ =	shalt  }
0x7f: {  	_ =	shalt  }
0x80: {  	_ =	shalt  }
0x81: {  	_ =	shalt  }
0x82: {  	_ =	shalt  }
0x83: {  	_ =	shalt  }
0x84: {  	_ =	shalt  }
0x85: {  	_ =	shalt  }
0x86: {  	_ =	shalt  }
0x87: {  	_ =	shalt  }
.Lfunc_end0:
.L_simem_size_0:
called_computation_lowered:
.L_overlay_start_0:
0x88: {  	s2 =	sld [smem:$0x3FD9]  }
0x89: {  	s3 =	sld [smem:$0x3FFE];
	_ =	sdelay $0x1  }
0x8a: {  	s1 =	srdreg.scid  }
0x8b: {  	s0 =	sand.u32 $0x1, s1  }
0x8c: {  	s17 =	sshll.u32 s0, $0xA;
	s2 =	sadd.s32 s3, s2  }
0x8d: {  	s2 =	sadd.s32 s2, s17  }
0x8e: {  	[smem:$0x3FC2] =	sst s2  }
0x8f: {  	_ = 	snop  }
0x90: {  	s2 =	sld [smem:$0x3FC9]  }
0x91: {  	s18 =	sld [smem:$0x3FD0];
	(tm) =	ssettm $0x1  }
0x92: {  	s4 =	sld [smem:$0x3FFB];
	_ =	sdelay $0x3  }
0x93: {  	_ =	strace s4  }
0x94: {  	s4 =	sld [smem:$0x3FFC];
	_ =	sdelay $0x3  }
0x95: {  	_ =	strace s4  }
0x96: {  	s4 =	sld [smem:$0x3FFD];
	_ =	sdelay $0x3  }
0x97: {  	_ =	strace s4  }
0x98: {  	_ =	strace $0x8FFFFFFF  }
0x99: {  	s19 =	sld [smem:$0x3FDB];
	_ =	sdelay $0x1  }
0x9a: {  	s5 =	simm.s32 $_scs_section_size  }
0x9b: {  	s6 =	simm.s32 $_size__tile_overlayer_lowered;
	s7 =	simm.s32 $_tile_overlayer_lowered  }
0x9c: {  	s22 =	simm.s32 $0x1BFF;
	s21 =	sshll.u32 s7, $0x1;
	s4 =	sadd.s32 s5, s19  }
0x9d: {  	s8 =	simm.s32 $0x0;
	s20 =	sshll.u32 s6, $0x1;
	s6 =	sadd.s32 s21, s4  }
0x9e: {  	[timem:s8], [sflag:s22] =	dma.local [hbm:s6], s20  }
0x9f: {  	_ =	swait.ge [sflag:s22], s20  }
0xa0: {  	s5 =	ssub.s32 $0x0, s20;
	[sflag:s22] =	ssyncset.done $0x0  }
0xa1: {  	[sflag:s22] =	ssyncadd.s32 s5;
	_ =	sdelay $0x1  }
0xa2: {  	s23 =	simm.s32 $0x1B8B  }
0xa3: {  	_ =	swait.ge [sflag:s23], $0x1  }
0xa4: {  	[sflag:s23] =	ssyncset.done $0x0  }
0xa5: {  	s25 =	simm.s32 $0x1B8E;
	s24 =	sld [smem:$0x3FFE];
	[sflag:s23] =	ssyncadd.s32 $0xFFFFFFFF  }
0xa6: {  	s26 =	simm.s32 $execute0_lowered;
	[smem:$0x3FD2] =	sst s25  }
0xa7: {  	s6 =	sshll.u32 s26, $0x1;
	_ =	strace $0x80000046;
	[dreg:$0x1] =	wrdreg $0xFFFFFFFF  }
0xa8: {  	s28 =	simm.s32 $_size_execute0_lowered;
	s4 =	sadd.s32 s4, s6;
	[dreg:$0x0] =	wrdreg $0x0  }
0xa9: {  	s6 =	sshll.u32 s28, $0x1;
	[dreg:$0x2] =	wrdreg s4  }
0xaa: {  	[dreg:$0x3] =	wrdreg s6  }
0xab: {  	[dreg:$0x4] =	wrdreg $0xC0  }
0xac: {  	_ =	task [dreg:s8], $0x5FFFF  }
0xad: {  	[dreg:$0x1] =	wrdreg $0xFFFFFFFF  }
0xae: {  	[dreg:$0x0] =	wrdreg $0x60  }
0xaf: {  	[dreg:$0x2] =	wrdreg s2  }
0xb0: {  	[dreg:$0x3] =	wrdreg s24  }
0xb1: {  	[dreg:$0x4] =	wrdreg s18  }
0xb2: {  	[dreg:$0x5] =	wrdreg $0x116200  }
0xb3: {  	[dreg:$0x6] =	wrdreg $0x9  }
0xb4: {  	_ =	task.clear_ibuf [dreg:s8], $0x7FFFF;
	_ =	strace $0x90000046  }
0xb5: {  	s29 =	simm.s32 $0x9;
	_ =	strace $0x80000048  }
0xb6: {  	_ =	swait.ge [sflag:s29], $0x1  }
0xb7: {  	[sflag:s29] =	ssyncadd.s32 $0xFFFFFFFF  }
0xb8: {  	_ =	strace $0x90000048  }
0xb9: {  	_ =	sfence  }
0xba: {  	s30 =	sld [smem:$0x0];
	_ =	sdelay $0x2  }
0xbb: {  	s31 =	sshll.u32 s1, $0xD;
	s1 =	sshrl.u32 s1, $0x2  }
0xbc: {  	s3 =	sand.u32 $0x4000, s31;
	s1 =	sadd.s32 s1, s30  }
0xbd: {  	s0 =	sor.u32 s3, s0;
	s1 =	sshll.u32 s1, $0x11  }
0xbe: {  	s0 =	sor.u32 s1, s0  }
0xbf: {  	s0 =	sadd.s32 $0x8F2B, s0  }
0xc0: {  	[sflag:s0] =	ssyncadd.remote.s32 $0x1  }
0xc1: {  	_ =	sfence.sel $0xFFFF  }
0xc2: {  	[dreg:$0x0] =	wrdreg $0xFFFFFFFF;
	(pc) =	sbr.abs _section_cstart, $3  }
0xc3: {  	[dreg:$0x1] =	wrdreg $0xFFFFFFFF  }
0xc4: {  	_ =	task.clear_ibuf [dreg:s8], $0x2FFFF;
	_ =	strace $0x9FFFFFFF  }
0xc5: {  	(tm) =	ssettm $0x7FFFFFFF  }
tec
execute0_lowered:
.L_overlay_start_1:
0x0: {  	(tag) =	ssettag $0x1  }
0x1: {  	s8 =	rddreg [dreg:$0x0]  }
0x2: {  	s5 =	rddreg [dreg:$0x1]  }
0x3: {  	s9 =	rddreg [dreg:$0x2]  }
0x4: {  	s2 =	rddreg [dreg:$0x3]  }
0x5: {  	s0 =	rddreg [dreg:$0x4]  }
0x6: {  	s3 =	simm.s32 $0x0;
	s1 =	stileid.u32;
	s4 =	srdreg.scid  }
0x7: {  	s17 =	simm.s32 $0xB220;
	s18 =	simm.s32 $0x1;
	s19 =	simm.s32 $0x2  }
0x8: {  	s20 =	simm.s32 $0x4C90;
	s23 =	simm.s32 $0x0;
	s6 =	smul.u32 $0x9C4, s1  }
0x9: {  	[smem:$0x7FF] =	sst s3;
	s10 =	sand.u32 $0x1, s4;
	s11 =	smul.u32 $0x9C00, s1  }
0xa: {  	s4 =	sadd.s32 $0x14800, s5;
	s31 =	sshll.u32 s1, $0x6;
	s15 =	sadd.s32 $0x9C000, s2  }
0xb: {  	p0 =	sne.s32 s1, $0xF;
	_ =	strace $0x80000047;
	s7 =	ssub.s32 $0x2, s10  }
0xc: {  	s16 =	smul.u32 $0x13880, s10;
	s10 =	sshll.u32 s10, $0x3;
	s12 =	sadd.s32 s6, s5  }
0xd: {  	s30 =	sshrl.u32 s7, $0x1;
	s14 =	sadd.s32 s11, s2;
	s5 =	sor.u32 $0x1C03, s31  }
0xe: {  	s8 =	sadd.s32 s8, s10;
	s22 =	sshrl.u32 s11, $0x3;
	s13 =	ssub.s32 s7, s30  }
0xf: {  	s6 =	sadd.s32 $0xAA00, s12;
	s7 =	sadd.s32 $0xC00, s12;
	s9 =	sadd.s32 s9, s16  }
0x10: {  	s11 =	sshrl.u32 s14, $0x3;
	s12 =	simm.s32 $0x3;
	s14 =	simm.s32 $0x2710  }
0x11: {  	s16 =	simm.s32 $0x4E20;
	s10 =	smax.u32 s13, $0x1;
	s13 =	sshrl.u32 @!p0 s15, $0x3  }
0x12: {  	s15 =	simm.s32 $0x190;
	s21 =	sadd.s32 $0x4E2, s6;
	s22 =	sadd.s32 s22, s9  }
.LBB2_1:
0x13: {  	[spmem:s11], [sflag:s5] =	dma.local [hbm:s4], $0x1380  }
0x14: {  	_ =	swait.ge [sflag:s12], $0x1380  }
0x15: {  	[sflag:s12] =	ssyncset.done $0x0  }
0x16: {  	s24 =	simm.s32 @!p0 $0x3;
	[sflag:s12] =	ssyncadd.s32 $0xFFFFEC80  }
0x17: {  	[spmem:s13], [sflag:s5] =	dma.local @!p0 [hbm:s4], $0x80  }
0x18: {  	_ =	swait.ge @!p0 [sflag:s24], $0x80  }
0x19: {  	[sflag:s24] =	ssyncset.done @!p0 $0x0  }
0x1a: {  	[sflag:s24] =	ssyncadd.s32 @!p0 $0xFFFFFF80  }
0x1b: {  	[bflag:$0x0] =	sbarrier.arrive $0xFFFF  }
0x1c: {  	[tilespmem:s3], [sflag:$0x3] =	stream.linear.gather [hbm4b:s6+s3], $0x2710, $0x38;
	[tilespmem:$0x1B260] =	vst v63  }
0x1d: {  	_ =	swait.ge [sflag:s12], $0x2710  }
0x1e: {  	[sflag:s12] =	ssyncset.done $0x0  }
0x1f: {  	[sflag:s12] =	ssyncadd.s32 $0xFFFFD8F0  }
0x20: {  	[tilespmem:s14], [sflag:$0x3] =	stream.linear.gather [hbm4b:s7+s3], $0x2710, $0x38;
	[tilespmem:$0x1B260] =	vst v63  }
0x21: {  	_ =	swait.ge [sflag:s12], $0x2710  }
0x22: {  	[sflag:s12] =	ssyncset.done $0x0  }
0x23: {  	[sflag:s12] =	ssyncadd.s32 $0xFFFFD8F0  }
0x24: {  	[tilespmem:s16], [sflag:$0x1] =	stream.indirect.gather [hbm4b:s8+s15], $0x40, s3, s15, $0xb8;
	[tilespmem:$0x1B260] =	vst v63  }
0x25: {  	s28 =	simm.s32 $0x190  }
0x26: {  	[tilespmem:s17], [sflag:$0x2] =	stream.indirect.gather [hbm4b:s8+s15], $0x40, s28, s15, $0xb8;
	[tilespmem:$0x1B260] =	vst v63  }
0x27: {  	_ =	swait.ge [sflag:s18], $0x6400  }
0x28: {  	[sflag:s18] =	ssyncset.done $0x0  }
0x29: {  	s29 =	simm.s32 $0x2710;
	[sflag:s18] =	ssyncadd.s32 $0xFFFF9C00  }
0x2a: {  	[spmem:s2] =	stream.indirect.scatter.add.f32 [tilespmem:s16], [sflag:$0x3], $0x40, s29, s15, $0xb8;
	[tilespmem:$0x1B260] =	vst v63  }
0x2b: {  	_ =	swait.ge [sflag:s12], $0x6400  }
0x2c: {  	[sflag:s12] =	ssyncset.done $0x0  }
0x2d: {  	s30 =	simm.s32 $0x320;
	[sflag:s12] =	ssyncadd.s32 $0xFFFF9C00  }
0x2e: {  	[tilespmem:s16], [sflag:$0x1] =	stream.indirect.gather [hbm4b:s8+s15], $0x40, s30, s15, $0xb8;
	[tilespmem:$0x1B260] =	vst v63  }
0x2f: {  	_ =	swait.ge [sflag:s19], $0x6400  }
0x30: {  	[sflag:s19] =	ssyncset.done $0x0  }
0x31: {  	s31 =	simm.s32 $0x28A0;
	[sflag:s19] =	ssyncadd.s32 $0xFFFF9C00  }
0x32: {  	[spmem:s2] =	stream.indirect.scatter.add.f32 [tilespmem:s17], [sflag:$0x3], $0x40, s31, s15, $0xb8;
	[tilespmem:$0x1B260] =	vst v63  }
0x33: {  	_ =	swait.ge [sflag:s12], $0x6400  }
0x34: {  	s25 =	simm.s32 $0x1900;
	s24 =	simm.s32 $0x320;
	[sflag:s12] =	ssyncset.done $0x0  }
.LBB2_2:
0x35: {  	s26 =	sadd.s32 $0x190, s24  }
0x36: {  	[sflag:s12] =	ssyncadd.s32 $0xFFFF9C00;
	s28 =	smov.u32 s25;
	s29 =	sadd.s32 $0xC80, s25  }
0x37: {  	[tilespmem:s17], [sflag:$0x2] =	stream.indirect.gather [hbm4b:s8+s15], $0x40, s26, s15, $0xb8;
	[tilespmem:$0x1B260] =	vst v63  }
0x38: {  	p1 =	sne.s32 s25, $0x8980;
	_ =	swait.ge [sflag:s18], $0x6400  }
0x39: {  	[sflag:s18] =	ssyncset.done $0x0  }
0x3a: {  	s25 =	sadd.s32 $0x2710, s24;
	[sflag:s18] =	ssyncadd.s32 $0xFFFF9C00  }
0x3b: {  	[spmem:s2] =	stream.indirect.scatter.add.f32 [tilespmem:s16], [sflag:$0x3], $0x40, s25, s15, $0xb8;
	[tilespmem:$0x1B260] =	vst v63  }
0x3c: {  	_ =	swait.ge [sflag:s12], $0x6400  }
0x3d: {  	[sflag:s12] =	ssyncset.done $0x0  }
0x3e: {  	s25 =	sadd.s32 $0x320, s24;
	[sflag:s12] =	ssyncadd.s32 $0xFFFF9C00  }
0x3f: {  	[tilespmem:s16], [sflag:$0x1] =	stream.indirect.gather [hbm4b:s8+s15], $0x40, s25, s15, $0xb8;
	[tilespmem:$0x1B260] =	vst v63  }
0x40: {  	_ =	swait.ge [sflag:s19], $0x6400  }
.Ltmp0:
0x41: {  	[sflag:s19] =	ssyncset.done $0x0;
	(pc) =	sbr.rel @p1 .LBB2_2-.Ltmp0, $4  }
0x42: {  	s24 =	sadd.s32 $0x28A0, s24;
	[sflag:s19] =	ssyncadd.s32 $0xFFFF9C00  }
0x43: {  	[spmem:s2] =	stream.indirect.scatter.add.f32 [tilespmem:s17], [sflag:$0x3], $0x40, s24, s15, $0xb8;
	[tilespmem:$0x1B260] =	vst v63  }
0x44: {  	_ =	swait.ge [sflag:s12], $0x6400  }
0x45: {  	s25 =	smov.u32 s29;
	s24 =	sshra.s32 s28, $0x2;
	[sflag:s12] =	ssyncset.done $0x0  }
0x46: {  	s25 =	sadd.s32 $0x190, s24;
	[sflag:s12] =	ssyncadd.s32 $0xFFFF9C00  }
0x47: {  	[tilespmem:s17], [sflag:$0x2] =	stream.indirect.gather [hbm4b:s8+s15], $0x40, s25, s15, $0xb8;
	[tilespmem:$0x1B260] =	vst v63  }
0x48: {  	_ =	swait.ge [sflag:s18], $0x6400  }
0x49: {  	[sflag:s18] =	ssyncset.done $0x0  }
0x4a: {  	s28 =	sadd.s32 $0x2710, s24;
	[sflag:s18] =	ssyncadd.s32 $0xFFFF9C00  }
0x4b: {  	[spmem:s2] =	stream.indirect.scatter.add.f32 [tilespmem:s16], [sflag:$0x3], $0x40, s28, s15, $0xb8;
	[tilespmem:$0x1B260] =	vst v63  }
0x4c: {  	_ =	swait.ge [sflag:s12], $0x6400  }
0x4d: {  	[sflag:s12] =	ssyncset.done $0x0  }
0x4e: {  	s29 =	sadd.s32 $0x320, s24;
	[sflag:s12] =	ssyncadd.s32 $0xFFFF9C00  }
0x4f: {  	[tilespmem:s16], [sflag:$0x1] =	stream.indirect.gather [hbm4b:s8+s15], $0x40, s29, s15, $0xb8;
	[tilespmem:$0x1B260] =	vst v63  }
0x50: {  	_ =	swait.ge [sflag:s19], $0x6400  }
0x51: {  	[sflag:s19] =	ssyncset.done $0x0  }
0x52: {  	s30 =	sadd.s32 $0x28A0, s24;
	[sflag:s19] =	ssyncadd.s32 $0xFFFF9C00  }
0x53: {  	[spmem:s2] =	stream.indirect.scatter.add.f32 [tilespmem:s17], [sflag:$0x3], $0x40, s30, s15, $0xb8;
	[tilespmem:$0x1B260] =	vst v63  }
0x54: {  	_ =	swait.ge [sflag:s12], $0x6400  }
0x55: {  	[sflag:s12] =	ssyncset.done $0x0  }
0x56: {  	[sflag:s12] =	ssyncadd.s32 $0xFFFF9C00  }
0x57: {  	_ =	swait.ge [sflag:s18], $0x6400  }
0x58: {  	[sflag:s18] =	ssyncset.done $0x0  }
0x59: {  	[sflag:s18] =	ssyncadd.s32 $0xFFFF9C00  }
0x5a: {  	[spmem:s2] =	stream.indirect.scatter.add.f32 [tilespmem:s16], [sflag:$0x3], $0x40, s20, s15, $0xb8;
	[tilespmem:$0x1B260] =	vst v63  }
0x5b: {  	_ =	swait.ge [sflag:s12], $0x6400  }
0x5c: {  	[sflag:s12] =	ssyncset.done $0x0  }
0x5d: {  	s31 =	simm.s32 $0x0;
	[sflag:s12] =	ssyncadd.s32 $0xFFFF9C00  }
0x5e: {  	[tilespmem:s31], [sflag:$0x3] =	stream.linear.gather [hbm4b:s21+s31], $0x2710, $0x38;
	[tilespmem:$0x1B260] =	vst v63  }
0x5f: {  	_ =	swait.ge [sflag:s12], $0x2710  }
0x60: {  	[sflag:s12] =	ssyncset.done $0x0  }
0x61: {  	s26 =	sadd.s32 $0x4E2, s7;
	[sflag:s12] =	ssyncadd.s32 $0xFFFFD8F0  }
0x62: {  	[tilespmem:s14], [sflag:$0x3] =	stream.linear.gather [hbm4b:s26+s31], $0x2710, $0x38;
	[tilespmem:$0x1B260] =	vst v63  }
0x63: {  	_ =	swait.ge [sflag:s12], $0x2710  }
0x64: {  	[sflag:s12] =	ssyncset.done $0x0  }
0x65: {  	[sflag:s12] =	ssyncadd.s32 $0xFFFFD8F0  }
0x66: {  	[tilespmem:s16], [sflag:$0x1] =	stream.indirect.gather [hbm4b:s8+s15], $0x40, s31, s15, $0xb8;
	[tilespmem:$0x1B260] =	vst v63  }
0x67: {  	s28 =	simm.s32 $0x190  }
0x68: {  	[tilespmem:s17], [sflag:$0x2] =	stream.indirect.gather [hbm4b:s8+s15], $0x40, s28, s15, $0xb8;
	[tilespmem:$0x1B260] =	vst v63  }
0x69: {  	_ =	swait.ge [sflag:s18], $0x6400  }
0x6a: {  	[sflag:s18] =	ssyncset.done $0x0  }
0x6b: {  	s29 =	simm.s32 $0x2710;
	[sflag:s18] =	ssyncadd.s32 $0xFFFF9C00  }
0x6c: {  	[spmem:s2] =	stream.indirect.scatter.add.f32 [tilespmem:s16], [sflag:$0x3], $0x40, s29, s15, $0xb8;
	[tilespmem:$0x1B260] =	vst v63  }
0x6d: {  	_ =	swait.ge [sflag:s12], $0x6400  }
0x6e: {  	[sflag:s12] =	ssyncset.done $0x0  }
0x6f: {  	s30 =	simm.s32 $0x320;
	[sflag:s12] =	ssyncadd.s32 $0xFFFF9C00  }
0x70: {  	[tilespmem:s16], [sflag:$0x1] =	stream.indirect.gather [hbm4b:s8+s15], $0x40, s30, s15, $0xb8;
	[tilespmem:$0x1B260] =	vst v63  }
0x71: {  	_ =	swait.ge [sflag:s19], $0x6400  }
0x72: {  	[sflag:s19] =	ssyncset.done $0x0  }
0x73: {  	s31 =	simm.s32 $0x28A0;
	[sflag:s19] =	ssyncadd.s32 $0xFFFF9C00  }
0x74: {  	[spmem:s2] =	stream.indirect.scatter.add.f32 [tilespmem:s17], [sflag:$0x3], $0x40, s31, s15, $0xb8;
	[tilespmem:$0x1B260] =	vst v63  }
0x75: {  	_ =	swait.ge [sflag:s12], $0x6400  }
0x76: {  	s24 =	simm.s32 $0x320;
	s25 =	simm.s32 $0x1900;
	[sflag:s12] =	ssyncset.done $0x0  }
.LBB2_4:
0x77: {  	s26 =	sadd.s32 $0x190, s24  }
0x78: {  	[sflag:s12] =	ssyncadd.s32 $0xFFFF9C00;
	s28 =	smov.u32 s25;
	s29 =	sadd.s32 $0xC80, s25  }
0x79: {  	[tilespmem:s17], [sflag:$0x2] =	stream.indirect.gather [hbm4b:s8+s15], $0x40, s26, s15, $0xb8;
	[tilespmem:$0x1B260] =	vst v63  }
0x7a: {  	p1 =	sne.s32 s25, $0x8980;
	_ =	swait.ge [sflag:s18], $0x6400  }
0x7b: {  	[sflag:s18] =	ssyncset.done $0x0  }
0x7c: {  	s25 =	sadd.s32 $0x2710, s24;
	[sflag:s18] =	ssyncadd.s32 $0xFFFF9C00  }
0x7d: {  	[spmem:s2] =	stream.indirect.scatter.add.f32 [tilespmem:s16], [sflag:$0x3], $0x40, s25, s15, $0xb8;
	[tilespmem:$0x1B260] =	vst v63  }
0x7e: {  	_ =	swait.ge [sflag:s12], $0x6400  }
0x7f: {  	[sflag:s12] =	ssyncset.done $0x0  }
0x80: {  	s25 =	sadd.s32 $0x320, s24;
	[sflag:s12] =	ssyncadd.s32 $0xFFFF9C00  }
0x81: {  	[tilespmem:s16], [sflag:$0x1] =	stream.indirect.gather [hbm4b:s8+s15], $0x40, s25, s15, $0xb8;
	[tilespmem:$0x1B260] =	vst v63  }
0x82: {  	_ =	swait.ge [sflag:s19], $0x6400  }
.Ltmp1:
0x83: {  	[sflag:s19] =	ssyncset.done $0x0;
	(pc) =	sbr.rel @p1 .LBB2_4-.Ltmp1, $4  }
0x84: {  	s24 =	sadd.s32 $0x28A0, s24;
	[sflag:s19] =	ssyncadd.s32 $0xFFFF9C00  }
0x85: {  	[spmem:s2] =	stream.indirect.scatter.add.f32 [tilespmem:s17], [sflag:$0x3], $0x40, s24, s15, $0xb8;
	[tilespmem:$0x1B260] =	vst v63  }
0x86: {  	_ =	swait.ge [sflag:s12], $0x6400  }
0x87: {  	s25 =	smov.u32 s29;
	s24 =	sshra.s32 s28, $0x2;
	[sflag:s12] =	ssyncset.done $0x0  }
0x88: {  	s25 =	sadd.s32 $0x190, s24;
	[sflag:s12] =	ssyncadd.s32 $0xFFFF9C00  }
0x89: {  	[tilespmem:s17], [sflag:$0x2] =	stream.indirect.gather [hbm4b:s8+s15], $0x40, s25, s15, $0xb8;
	[tilespmem:$0x1B260] =	vst v63  }
0x8a: {  	_ =	swait.ge [sflag:s18], $0x6400  }
0x8b: {  	[sflag:s18] =	ssyncset.done $0x0  }
0x8c: {  	s29 =	sadd.s32 $0x2710, s24;
	[sflag:s18] =	ssyncadd.s32 $0xFFFF9C00  }
0x8d: {  	[spmem:s2] =	stream.indirect.scatter.add.f32 [tilespmem:s16], [sflag:$0x3], $0x40, s29, s15, $0xb8;
	[tilespmem:$0x1B260] =	vst v63  }
0x8e: {  	_ =	swait.ge [sflag:s12], $0x6400  }
0x8f: {  	[sflag:s12] =	ssyncset.done $0x0  }
0x90: {  	s30 =	sadd.s32 $0x320, s24;
	[sflag:s12] =	ssyncadd.s32 $0xFFFF9C00  }
0x91: {  	[tilespmem:s16], [sflag:$0x1] =	stream.indirect.gather [hbm4b:s8+s15], $0x40, s30, s15, $0xb8;
	[tilespmem:$0x1B260] =	vst v63  }
0x92: {  	_ =	swait.ge [sflag:s19], $0x6400  }
0x93: {  	[sflag:s19] =	ssyncset.done $0x0  }
0x94: {  	s31 =	sadd.s32 $0x28A0, s24;
	[sflag:s19] =	ssyncadd.s32 $0xFFFF9C00  }
0x95: {  	[spmem:s2] =	stream.indirect.scatter.add.f32 [tilespmem:s17], [sflag:$0x3], $0x40, s31, s15, $0xb8;
	[tilespmem:$0x1B260] =	vst v63  }
0x96: {  	_ =	swait.ge [sflag:s12], $0x6400  }
0x97: {  	[sflag:s12] =	ssyncset.done $0x0  }
0x98: {  	[sflag:s12] =	ssyncadd.s32 $0xFFFF9C00  }
0x99: {  	_ =	swait.ge [sflag:s18], $0x6400  }
0x9a: {  	[sflag:s18] =	ssyncset.done $0x0  }
0x9b: {  	[sflag:s18] =	ssyncadd.s32 $0xFFFF9C00  }
0x9c: {  	[spmem:s2] =	stream.indirect.scatter.add.f32 [tilespmem:s16], [sflag:$0x3], $0x40, s20, s15, $0xb8;
	[tilespmem:$0x1B260] =	vst v63  }
0x9d: {  	_ =	swait.ge [sflag:s12], $0x6400  }
0x9e: {  	[sflag:s12] =	ssyncset.done $0x0  }
0x9f: {  	[sflag:s12] =	ssyncadd.s32 $0xFFFF9C00  }
0xa0: {  	[bflag:$0x0] =	sbarrier.arrive $0xFFFF  }
0xa1: {  	[hbm:s22], [sflag:s5] =	dma.local [spmem:s11], $0x1380  }
0xa2: {  	_ =	swait.ge [sflag:s12], $0x1380  }
0xa3: {  	s23 =	sadd.s32 $0x1, s23;
	[sflag:s12] =	ssyncset.done $0x0  }
0xa4: {  	s24 =	sadd.s32 @!p0 $0x13800, s9;
	p1 =	sne.s32 s23, s10;
	[sflag:s12] =	ssyncadd.s32 $0xFFFFEC80  }
0xa5: {  	[hbm:s24], [sflag:s5] =	dma.local @!p0 [spmem:s13], $0x80  }
.Ltmp2:
0xa6: {  	_ = 	snop;
	(pc) =	sbr.rel @p1 .LBB2_1-.Ltmp2, $4  }
0xa7: {  	s24 =	simm.s32 @!p0 $0x3  }
0xa8: {  	_ =	swait.ge @!p0 [sflag:s24], $0x80  }
0xa9: {  	[sflag:s24] =	ssyncset.done @!p0 $0x0  }
0xaa: {  	[sflag:s24] =	ssyncadd.s32 @!p0 $0xFFFFFF80  }
0xab: {  	_ =	sfence.sel $0x180000  }
0xac: {  	[bflag:$0x0] =	sbarrier.arrive $0xFFFF  }
0xad: {  	p0 =	sne.s32 s1, $0x0;
	_ =	strace $0x90000047  }
0xae: {  	s0 =	sadd.s32 @!p0 $0x100000, s0;
	[bflag:$0x2] =	sbarrier.arrive $0xFFFF  }
0xaf: {  	[sflag:s0] =	ssyncadd.tile.s32 @!p0 $0x1;
	_ =	shalt  }
.Lfunc_end2:
_tile_overlayer_lowered:
.L_overlay_start_2:
0xb0: {  	(tag) =	ssettag $0x2  }
0xb1: {  	s0 =	rddreg [dreg:$0x0];
	s2 =	stileid.u32  }
0xb2: {  	s1 =	rddreg [dreg:$0x1];
	p0 =	sne.s32 s2, $0x0  }
0xb3: {  	s3 =	rddreg [dreg:$0x2];
	[bflag:$0x3] =	sbarrier.arrive $0xFFFF;
	s2 =	simm.s32 @!p0 $0x1C03  }
0xb4: {  	[timem:s3], [sflag:s2] =	dma.local @!p0 [hbm:s0], s1  }
0xb5: {  	s0 =	simm.s32 @!p0 $0x3  }
0xb6: {  	_ =	swait.ge @!p0 [sflag:s0], s1  }
0xb7: {  	s1 =	ssub.s32 @!p0 $0x0, s1;
	[sflag:s0] =	ssyncset.done @!p0 $0x0  }
0xb8: {  	[sflag:s0] =	ssyncadd.s32 @!p0 s1  }
0xb9: {  	[bflag:$0x3] =	sbarrier.arrive $0xFFFF  }
0xba: {  	_ =	shalt  }

</sc_bundles>
